<compile_context>
chip_gen: v7x
topology: tpu7x:2x2x1
jax: 0.10.2.dev20260603
libtpu: 0.0.44.dev20260713+nightly
codegen_flags: <defaults>
</compile_context>

<pallas_src>
import functools
import math

import jax
import jax.numpy as jnp
from jax.experimental import pallas as pl
from jax.experimental.pallas import tpu as pltpu
from jax.experimental.pallas import tpu_sc as plsc

_INT_MIN = -2147483648
_INT_MAX = 2147483647
_CHUNK = 1280
_NW = 32
_L = 16


def _order_key(s):
    k = jax.lax.bitcast_convert_type(s, jnp.int32)
    return jnp.where(k >= 0, k, k ^ jnp.int32(0x7FFFFFFF))


def _fold8(row, npad):
    c = npad // 8
    chunks = [jax.lax.slice(row, (0, i * c), (1, (i + 1) * c)) for i in range(8)]
    return jnp.concatenate(chunks, axis=0)


def _tc_body(n, k_keep, x_ref, p2_ref, w1_ref, b1_ref, w2_ref, w_ref,
             keep_ref, ids_ref, cv_ref, idsb_ref, tabb_ref):
    npad = 8 * _CHUNK

    xall = x_ref[...]
    sa = jax.lax.dot_general(p2_ref[...], xall, (((1,), (1,)), ((), ())),
                             preferred_element_type=jnp.float32)
    p = p2_ref[0:1, :]
    norm = jnp.sqrt(jnp.sum(p * p))
    st = sa[0:1, :] / (norm + 1e-16)
    sg = sa[1:2, :]
    h = jnp.tanh(jax.lax.dot_general(xall, w1_ref[...], (((1,), (0,)), ((), ())),
                                     preferred_element_type=jnp.float32)
                 + b1_ref[...])
    sm = jax.lax.dot_general(w2_ref[...], h, (((1,), (1,)), ((), ())),
                             preferred_element_type=jnp.float32)

    pad = jnp.full((1, npad - n), -jnp.inf, jnp.float32)
    col8 = (jax.lax.broadcasted_iota(jnp.int32, (8, _CHUNK), 0) * _CHUNK
            + jax.lax.broadcasted_iota(jnp.int32, (8, _CHUNK), 1))

    thresholds, cnt_gts, amaxs, keys_all, tanh_all = [], [], [], [], []
    for srow in (st, sm, sg):
        s8 = _fold8(jnp.concatenate([srow, pad], axis=1), npad)
        key = _order_key(s8)
        key = jnp.where(col8 < n, key, jnp.int32(_INT_MIN))
        keys_all.append(key)
        tanh_all.append(jnp.tanh(s8))
        nneg = jnp.sum(jnp.where(key >= 0, 1, 0).astype(jnp.int32))
        use_neg = nneg < k_keep
        lo0 = jnp.where(use_neg, jnp.int32(_INT_MIN), jnp.int32(0))
        hi0 = jnp.where(use_neg, jnp.int32(-1), jnp.int32(_INT_MAX))

        def bisect(_, carry, key=key):
            lo, hi = carry
            span = hi - lo
            mid = lo + (span >> 1) + (span & 1)
            cnt = jnp.sum(jnp.where(key >= mid, 1, 0).astype(jnp.int32))
            ok = cnt >= k_keep
            return (jnp.where(ok, mid, lo), jnp.where(ok, hi, mid - 1))

        t, _ = jax.lax.fori_loop(0, 31, bisect, (lo0, hi0))
        thresholds.append(t)
        cnt_gts.append(jnp.sum(jnp.where(key > t, 1, 0).astype(jnp.int32)))
        mx = jnp.max(key)
        amaxs.append(jnp.min(jnp.where(key == mx, col8, jnp.int32(_INT_MAX))))

    w0, w1, w2 = w_ref[0], w_ref[1], w_ref[2]
    ws = [w0, w1, w2]
    a0, a1, a2 = amaxs
    th = jnp.float32(0.01)
    eq10 = a1 == a0
    eq20 = a2 == a0
    eq21 = a2 == a1
    spm0 = w0 + jnp.where(eq10, w1, 0.0) + jnp.where(eq20, w2, 0.0)
    spm1 = w1 + jnp.where(eq21, w2, 0.0)
    keeps = [spm0 > th,
             jnp.logical_and(~eq10, spm1 > th),
             jnp.logical_and(~eq20, jnp.logical_and(~eq21, w2 > th))]
    sels_raw = [a0, a1, a2]
    sels = [jnp.where(keeps[p], sels_raw[p], jnp.int32(-1)) for p in range(3)]

    m = [[None] * 3 for _ in range(3)]
    tv = [[None] * 3 for _ in range(3)]
    for i in range(3):
        key, t, cg = keys_all[i], thresholds[i], cnt_gts[i]
        for p in range(3):
            ap = sels_raw[p]
            hit = col8 == ap
            kv = jnp.sum(jnp.where(hit, key, 0).astype(jnp.int32))
            ceb = jnp.sum(jnp.where((key == t) & (col8 < ap), 1, 0)
                          .astype(jnp.int32))
            mm = jnp.logical_or(kv > t,
                                jnp.logical_and(kv == t, cg + ceb < k_keep))
            m[i][p] = jnp.where(mm, jnp.float32(1.0), jnp.float32(0.0))
            tv[i][p] = jnp.sum(jnp.where(hit, tanh_all[i], 0.0))

    tabs = [[None] * 3 for _ in range(3)]
    for p in range(3):
        cp = ws[0] * tv[0][p] * m[0][p] + ws[1] * tv[1][p] * m[1][p] \
            + ws[2] * tv[2][p] * m[2][p]
        ids_ref[p] = sels[p]
        cv_ref[p] = cp
        for q in range(3):
            tabs[p][q] = ws[0] * m[0][p] * m[0][q] + ws[1] * m[1][p] * m[1][q] \
                + ws[2] * m[2][p] * m[2][q]
    ids_ref[3] = jnp.int32(0)
    cv_ref[3] = jnp.float32(0.0)

    li = jax.lax.broadcasted_iota(jnp.int32, (1, 3 * 16), 1) // 16
    idsb_ref[...] = jnp.where(li == 0, sels[0],
                              jnp.where(li == 1, sels[1], sels[2]))
    lt = jax.lax.broadcasted_iota(jnp.int32, (1, 9 * 16), 1) // 16
    tb = jnp.zeros((1, 9 * 16), jnp.float32)
    for p in range(3):
        for q in range(3):
            tb = jnp.where(lt == 3 * p + q, tabs[p][q], tb)
    tabb_ref[...] = tb

    coln = jax.lax.broadcasted_iota(jnp.int32, (1, n), 1)
    kv = jnp.zeros((1, n), jnp.float32)
    for p in range(3):
        kv = kv + jnp.where(coln == sels[p], 1.0, 0.0)
    keep_ref[...] = kv


def _xf_body(x_ref, ids_ref, cv_ref, xf_ref):
    xf_ref[...] = jnp.zeros(xf_ref.shape, jnp.float32)
    for p in range(3):
        @pl.when(ids_ref[p] >= 0)
        def _(p=p):
            xf_ref[pl.ds(ids_ref[p], 1), :] = \
                x_ref[pl.ds(ids_ref[p], 1), :] * cv_ref[p]


def _sc_edge_body(e_per, e_total, ei_hbm, ew_hbm, ids_hbm, tab_hbm, out_hbm,
                  src_v, dst_v, ew_v, out_v, ids_v, tab_v, sem):
    wid = jax.lax.axis_index("s") * 2 + jax.lax.axis_index("c")
    base = wid * e_per
    c1 = pltpu.make_async_copy(ei_hbm.at[pl.ds(base, e_per)], src_v, sem)
    c2 = pltpu.make_async_copy(ei_hbm.at[pl.ds(e_total + base, e_per)], dst_v, sem)
    c3 = pltpu.make_async_copy(ew_hbm.at[pl.ds(base, e_per)], ew_v, sem)
    c1.start()
    c2.start()
    c3.start()
    pltpu.sync_copy(ids_hbm, ids_v)
    pltpu.sync_copy(tab_hbm, tab_v)
    c1.wait()
    c2.wait()
    c3.wait()

    id0 = ids_v[pl.ds(0, _L)]
    id1 = ids_v[pl.ds(_L, _L)]
    id2 = ids_v[pl.ds(2 * _L, _L)]
    t = [[tab_v[pl.ds((3 * p + q) * _L, _L)] for q in range(3)] for p in range(3)]
    zero = jnp.zeros((_L,), jnp.float32)

    def step(i, carry):
        sl = pl.ds(i * _L, _L)
        sv = src_v[sl]
        dv = dst_v[sl]
        wv = ew_v[sl]
        d0 = dv == id0
        d1 = dv == id1
        d2 = dv == id2
        coef = zero
        for p, idp in enumerate((id0, id1, id2)):
            tp = jnp.where(d0, t[p][0], zero) \
                + jnp.where(d1, t[p][1], zero) \
                + jnp.where(d2, t[p][2], zero)
            coef = coef + jnp.where(sv == idp, tp, zero)
        out_v[sl] = wv * coef
        return carry

    jax.lax.fori_loop(0, e_per // _L, step, 0)
    pltpu.sync_copy(out_v, out_hbm.at[pl.ds(base, e_per)])


@jax.jit
def kernel(x, edge_index, edge_weights, data, batch, mask, weights,
           p_topk, W1, b1, w2, w_gap):
    n, d = x.shape
    e = edge_weights.shape[0]
    k_keep = int(math.ceil(0.5 * n))

    p2 = jnp.stack([p_topk, w_gap])
    b1r = b1.reshape(1, d)
    w2r = w2.reshape(1, d)

    vm = lambda: pl.BlockSpec(memory_space=pltpu.MemorySpace.VMEM)
    sm = lambda: pl.BlockSpec(memory_space=pltpu.SMEM)
    keep, ids, cv, idsb, tabb = pl.pallas_call(
        functools.partial(_tc_body, n, k_keep),
        in_specs=[vm(), vm(), vm(), vm(), vm(), sm()],
        out_specs=[vm(), sm(), sm(), vm(), vm()],
        out_shape=[
            jax.ShapeDtypeStruct((1, n), jnp.float32),
            jax.ShapeDtypeStruct((4,), jnp.int32),
            jax.ShapeDtypeStruct((4,), jnp.float32),
            jax.ShapeDtypeStruct((1, 3 * _L), jnp.int32),
            jax.ShapeDtypeStruct((1, 9 * _L), jnp.float32),
        ],
    )(x, p2, W1, b1r, w2r, weights)

    e_per = e // _NW
    mesh = plsc.VectorSubcoreMesh(core_axis_name="c", subcore_axis_name="s")
    ewf = pl.kernel(
        functools.partial(_sc_edge_body, e_per, e),
        out_type=jax.ShapeDtypeStruct((e,), jnp.float32),
        mesh=mesh,
        scratch_types=[
            pltpu.VMEM((e_per,), jnp.int32),
            pltpu.VMEM((e_per,), jnp.int32),
            pltpu.VMEM((e_per,), jnp.float32),
            pltpu.VMEM((e_per,), jnp.float32),
            pltpu.VMEM((3 * _L,), jnp.int32),
            pltpu.VMEM((9 * _L,), jnp.float32),
            pltpu.SemaphoreType.DMA,
        ],
    )(edge_index.reshape(-1), edge_weights, idsb.reshape(-1), tabb.reshape(-1))

    x_f = pl.pallas_call(
        _xf_body,
        in_specs=[vm(), sm(), sm()],
        out_specs=vm(),
        out_shape=jax.ShapeDtypeStruct((n, d), jnp.float32),
    )(x, ids, cv)

    return (x_f, edge_index, ewf, batch, keep.reshape(n))

# --- scband reference (transcript-rebuilt; emitter-appended) ---
"""Pipeline reference for scband-pooling-mixed-op-4544075399255 (READ-ONLY COPY).

The authoritative reference and input builder live on the scoring server;
editing this copy changes nothing except your own understanding.
"""

import jax, jax.numpy as jnp
import numpy as np

HIDDEN = 128
RATIO = 0.5
N_NODES = 10000
N_EDGES = 320000

# PoolingMixedOp mixes several score-based top-k graph pooling primitives
# (topkpool / mlppool / gappool style, as in PAS pooling search spaces).
# Each primitive scores nodes, keeps top ceil(ratio*N), returns a full-size
# x with non-selected nodes zeroed, masked edge weights, and the perm index.
# index_to_mask reproduces the original code's in-place fill_ quirk: the
# mask is 1.0 only at position perm[0]. filter_perm keeps nodes whose mixed
# perm-mask exceeds th=0.01 (implemented as a fixed-size multiplicative mask).

def setup_inputs(seed: int = 0):
    key = jax.random.key(seed)
    ks = jax.random.split(key, 10)
    N, E, d = N_NODES, N_EDGES, HIDDEN
    x = jax.random.normal(ks[0], (N, d), dtype=jnp.float32)
    edge_index = jax.random.randint(ks[1], (2, E), 0, N, dtype=jnp.int32)
    edge_weights = jax.random.uniform(ks[2], (E,), dtype=jnp.float32)
    data = jnp.zeros((1,), dtype=jnp.float32)  # placeholder for PyG Data (unused by these primitives)
    batch = jnp.zeros((N,), dtype=jnp.int32)
    mask = jnp.ones((N,), dtype=bool)
    weights = jax.random.uniform(ks[3], (3,), dtype=jnp.float32)
    # learnable parameters of the pooling primitives
    p_topk = jax.random.normal(ks[4], (d,), dtype=jnp.float32) * 0.1
    W1 = jax.random.normal(ks[5], (d, d), dtype=jnp.float32) * (1.0 / np.sqrt(d))
    b1 = jnp.zeros((d,), dtype=jnp.float32)
    w2 = jax.random.normal(ks[6], (d,), dtype=jnp.float32) * 0.1
    w_gap = jax.random.normal(ks[7], (d,), dtype=jnp.float32) * 0.1
    return {"x": x, "edge_index": edge_index, "edge_weights": edge_weights,
            "data": data, "batch": batch, "mask": mask, "weights": weights,
            "p_topk": p_topk, "W1": W1, "b1": b1, "w2": w2, "w_gap": w_gap}


def _index_to_mask(perm, size):
    # faithful to torch: index.fill_(index[0]) -> mask is 1 only at perm[0]
    return jnp.zeros((size,), jnp.float32).at[perm[0]].set(1.0)


def _pool_from_score(x, edge_index, edge_weights, score, ratio):
    N = x.shape[0]
    k = int(np.ceil(ratio * N))
    _, perm = jax.lax.top_k(score, k)
    sa = jnp.tanh(score)
    node_mask = jnp.zeros((N,), x.dtype).at[perm].set(1.0)
    x_out = x * sa[:, None] * node_mask[:, None]
    ew_out = edge_weights * node_mask[edge_index[0]] * node_mask[edge_index[1]]
    return x_out, ew_out, perm


def reference(x, edge_index, edge_weights, data, batch, mask, weights,
              p_topk, W1, b1, w2, w_gap):
    N = x.shape[0]
    # per-primitive node scores
    s_topk = (x @ p_topk) / (jnp.linalg.norm(p_topk) + 1e-16)
    s_mlp = jnp.tanh(x @ W1 + b1) @ w2
    s_gap = x @ w_gap
    new_x, new_ew, new_pm = [], [], []
    for i, s in enumerate([s_topk, s_mlp, s_gap]):
        w = weights[i]
        x_t, ew_t, perm = _pool_from_score(x, edge_index, edge_weights, s, RATIO)
        new_x.append(x_t * w)
        new_ew.append(w * ew_t)
        new_pm.append(w * _index_to_mask(perm, N))
    sx = new_x[0] + new_x[1] + new_x[2]
    sew = new_ew[0] + new_ew[1] + new_ew[2]
    spm = new_pm[0] + new_pm[1] + new_pm[2]
    # filter_perm with th=0.01 (fixed-size masked form)
    th = 0.01
    keep = (spm > th).astype(x.dtype)
    x_f = sx * keep[:, None]
    ew_f = sew * keep[edge_index[0]] * keep[edge_index[1]]
    return (x_f, edge_index, ew_f, batch, keep)

if __name__ == "__main__":
    import jax
    _d = setup_inputs()
    print(jax.jit(kernel)(*tuple(_d.values())))

</pallas_src>

<mosaic_0001>
#map = affine_map<(d0, d1) -> (0)>
module attributes {stable_mosaic.version = 14 : i64} {
  func.func @_sc_edge_body(%arg0: i32, %arg1: i32, %arg2: memref<640000xi32, #tpu.memory_space<hbm>>, %arg3: memref<320000xf32, #tpu.memory_space<hbm>>, %arg4: memref<48xi32, #tpu.memory_space<hbm>>, %arg5: memref<144xf32, #tpu.memory_space<hbm>>, %arg6: memref<320000xf32, #tpu.memory_space<hbm>>, %arg7: memref<10000xi32, #tpu.memory_space<vmem>>, %arg8: memref<10000xi32, #tpu.memory_space<vmem>>, %arg9: memref<10000xf32, #tpu.memory_space<vmem>>, %arg10: memref<10000xf32, #tpu.memory_space<vmem>>, %arg11: memref<48xi32, #tpu.memory_space<vmem>>, %arg12: memref<144xf32, #tpu.memory_space<vmem>>, %arg13: memref<!tpu.dma_semaphore, #tpu.memory_space<semaphore_mem>>) attributes {dimension_semantics = [#tpu.dimension_semantics<core_parallel>, #tpu.dimension_semantics<subcore_parallel>], iteration_bounds = array<i64: 2, 16>, scalar_prefetch = 0 : i64, scratch_operands = 7 : i64, tpu.core_type = #tpu.core_type<sc_vector_subcore>, window_params = [{transform_indices = #map}, {transform_indices = #map}, {transform_indices = #map}, {transform_indices = #map}, {transform_indices = #map}]} {
    %mul3A = arith.constant 2 : i32
    %mul3A_0 = arith.muli %arg1, %mul3A : i32
    %add3A = arith.addi %mul3A_0, %arg0 : i32
    %mul3A_1 = arith.constant 10000 : i32
    %mul3A_2 = arith.muli %add3A, %mul3A_1 : i32
    %add3A_3 = arith.constant 320000 : i32
    %add3A_4 = arith.addi %add3A_3, %mul3A_2 : i32
    %dma_start3A = tpu.memref_slice %arg2[%mul3A_2] : memref<640000xi32, #tpu.memory_space<hbm>> -> memref<10000xi32, #tpu.memory_space<hbm>>
    %dma_start3A_5 = tpu.memref_slice %arg2[%mul3A_2] : memref<640000xi32, #tpu.memory_space<hbm>> -> memref<10000xi32, #tpu.memory_space<hbm>>
    tpu.enqueue_dma source(%dma_start3A_5 : memref<10000xi32, #tpu.memory_space<hbm>>) target(%arg7 : memref<10000xi32, #tpu.memory_space<vmem>>) target_semaphore(%arg13 : memref<!tpu.dma_semaphore, #tpu.memory_space<semaphore_mem>>)
    %dma_start3A_6 = tpu.memref_slice %arg2[%add3A_4] : memref<640000xi32, #tpu.memory_space<hbm>> -> memref<10000xi32, #tpu.memory_space<hbm>>
    %dma_start3A_7 = tpu.memref_slice %arg2[%add3A_4] : memref<640000xi32, #tpu.memory_space<hbm>> -> memref<10000xi32, #tpu.memory_space<hbm>>
    tpu.enqueue_dma source(%dma_start3A_7 : memref<10000xi32, #tpu.memory_space<hbm>>) target(%arg8 : memref<10000xi32, #tpu.memory_space<vmem>>) target_semaphore(%arg13 : memref<!tpu.dma_semaphore, #tpu.memory_space<semaphore_mem>>)
    %dma_start3A_8 = tpu.memref_slice %arg3[%mul3A_2] : memref<320000xf32, #tpu.memory_space<hbm>> -> memref<10000xf32, #tpu.memory_space<hbm>>
    %dma_start3A_9 = tpu.memref_slice %arg3[%mul3A_2] : memref<320000xf32, #tpu.memory_space<hbm>> -> memref<10000xf32, #tpu.memory_space<hbm>>
    tpu.enqueue_dma source(%dma_start3A_9 : memref<10000xf32, #tpu.memory_space<hbm>>) target(%arg9 : memref<10000xf32, #tpu.memory_space<vmem>>) target_semaphore(%arg13 : memref<!tpu.dma_semaphore, #tpu.memory_space<semaphore_mem>>)
    "tpu.region"() ({
      %run_scoped3A = tpu.sem_alloc : memref<!tpu.dma_semaphore, #tpu.memory_space<semaphore_mem>>
      tpu.enqueue_dma source(%arg4 : memref<48xi32, #tpu.memory_space<hbm>>) target(%arg11 : memref<48xi32, #tpu.memory_space<vmem>>) target_semaphore(%run_scoped3A : memref<!tpu.dma_semaphore, #tpu.memory_space<semaphore_mem>>)
      tpu.wait_dma2 semaphore(%run_scoped3A : memref<!tpu.dma_semaphore, #tpu.memory_space<semaphore_mem>>) src(%arg4 : memref<48xi32, #tpu.memory_space<hbm>>) dst(%arg11 : memref<48xi32, #tpu.memory_space<vmem>>)
      tpu.yield
    }) : () -> ()
    "tpu.region"() ({
      %run_scoped3A = tpu.sem_alloc : memref<!tpu.dma_semaphore, #tpu.memory_space<semaphore_mem>>
      tpu.enqueue_dma source(%arg5 : memref<144xf32, #tpu.memory_space<hbm>>) target(%arg12 : memref<144xf32, #tpu.memory_space<vmem>>) target_semaphore(%run_scoped3A : memref<!tpu.dma_semaphore, #tpu.memory_space<semaphore_mem>>)
      tpu.wait_dma2 semaphore(%run_scoped3A : memref<!tpu.dma_semaphore, #tpu.memory_space<semaphore_mem>>) src(%arg5 : memref<144xf32, #tpu.memory_space<hbm>>) dst(%arg12 : memref<144xf32, #tpu.memory_space<vmem>>)
      tpu.yield
    }) : () -> ()
    %dma_wait3A = tpu.memref_slice %arg2[%mul3A_2] : memref<640000xi32, #tpu.memory_space<hbm>> -> memref<10000xi32, #tpu.memory_space<hbm>>
    %dma_wait3A_10 = tpu.memref_slice %arg2[%mul3A_2] : memref<640000xi32, #tpu.memory_space<hbm>> -> memref<10000xi32, #tpu.memory_space<hbm>>
    tpu.wait_dma2 semaphore(%arg13 : memref<!tpu.dma_semaphore, #tpu.memory_space<semaphore_mem>>) src(%dma_wait3A_10 : memref<10000xi32, #tpu.memory_space<hbm>>) dst(%arg7 : memref<10000xi32, #tpu.memory_space<vmem>>)
    %dma_wait3A_11 = tpu.memref_slice %arg2[%add3A_4] : memref<640000xi32, #tpu.memory_space<hbm>> -> memref<10000xi32, #tpu.memory_space<hbm>>
    %dma_wait3A_12 = tpu.memref_slice %arg2[%add3A_4] : memref<640000xi32, #tpu.memory_space<hbm>> -> memref<10000xi32, #tpu.memory_space<hbm>>
    tpu.wait_dma2 semaphore(%arg13 : memref<!tpu.dma_semaphore, #tpu.memory_space<semaphore_mem>>) src(%dma_wait3A_12 : memref<10000xi32, #tpu.memory_space<hbm>>) dst(%arg8 : memref<10000xi32, #tpu.memory_space<vmem>>)
    %dma_wait3A_13 = tpu.memref_slice %arg3[%mul3A_2] : memref<320000xf32, #tpu.memory_space<hbm>> -> memref<10000xf32, #tpu.memory_space<hbm>>
    %dma_wait3A_14 = tpu.memref_slice %arg3[%mul3A_2] : memref<320000xf32, #tpu.memory_space<hbm>> -> memref<10000xf32, #tpu.memory_space<hbm>>
    tpu.wait_dma2 semaphore(%arg13 : memref<!tpu.dma_semaphore, #tpu.memory_space<semaphore_mem>>) src(%dma_wait3A_14 : memref<10000xf32, #tpu.memory_space<hbm>>) dst(%arg9 : memref<10000xf32, #tpu.memory_space<vmem>>)
    %get3A = arith.constant 0 : index
    %get3A_15 = tpu.vector_load %arg11[%get3A] {strides = array<i32>} : memref<48xi32, #tpu.memory_space<vmem>>, vector<16xi32>,
    %get3A_16 = vector.shape_cast %get3A_15 : vector<16xi32> to vector<16xi32>
    %get3A_17 = arith.constant 16 : index
    %get3A_18 = tpu.vector_load %arg11[%get3A_17] {strides = array<i32>} : memref<48xi32, #tpu.memory_space<vmem>>, vector<16xi32>,
    %get3A_19 = vector.shape_cast %get3A_18 : vector<16xi32> to vector<16xi32>
    %get3A_20 = arith.constant 32 : index
    %get3A_21 = tpu.vector_load %arg11[%get3A_20] {strides = array<i32>} : memref<48xi32, #tpu.memory_space<vmem>>, vector<16xi32>,
    %get3A_22 = vector.shape_cast %get3A_21 : vector<16xi32> to vector<16xi32>
    %get3A_23 = arith.constant 0 : index
    %get3A_24 = tpu.vector_load %arg12[%get3A_23] {strides = array<i32>} : memref<144xf32, #tpu.memory_space<vmem>>, vector<16xf32>,
    %get3A_25 = vector.shape_cast %get3A_24 : vector<16xf32> to vector<16xf32>
    %get3A_26 = arith.constant 16 : index
    %get3A_27 = tpu.vector_load %arg12[%get3A_26] {strides = array<i32>} : memref<144xf32, #tpu.memory_space<vmem>>, vector<16xf32>,
    %get3A_28 = vector.shape_cast %get3A_27 : vector<16xf32> to vector<16xf32>
    %get3A_29 = arith.constant 32 : index
    %get3A_30 = tpu.vector_load %arg12[%get3A_29] {strides = array<i32>} : memref<144xf32, #tpu.memory_space<vmem>>, vector<16xf32>,
    %get3A_31 = vector.shape_cast %get3A_30 : vector<16xf32> to vector<16xf32>
    %get3A_32 = arith.constant 48 : index
    %get3A_33 = tpu.vector_load %arg12[%get3A_32] {strides = array<i32>} : memref<144xf32, #tpu.memory_space<vmem>>, vector<16xf32>,
    %get3A_34 = vector.shape_cast %get3A_33 : vector<16xf32> to vector<16xf32>
    %get3A_35 = arith.constant 64 : index
    %get3A_36 = tpu.vector_load %arg12[%get3A_35] {strides = array<i32>} : memref<144xf32, #tpu.memory_space<vmem>>, vector<16xf32>,
    %get3A_37 = vector.shape_cast %get3A_36 : vector<16xf32> to vector<16xf32>
    %get3A_38 = arith.constant 80 : index
    %get3A_39 = tpu.vector_load %arg12[%get3A_38] {strides = array<i32>} : memref<144xf32, #tpu.memory_space<vmem>>, vector<16xf32>,
    %get3A_40 = vector.shape_cast %get3A_39 : vector<16xf32> to vector<16xf32>
    %get3A_41 = arith.constant 96 : index
    %get3A_42 = tpu.vector_load %arg12[%get3A_41] {strides = array<i32>} : memref<144xf32, #tpu.memory_space<vmem>>, vector<16xf32>,
    %get3A_43 = vector.shape_cast %get3A_42 : vector<16xf32> to vector<16xf32>
    %get3A_44 = arith.constant 112 : index
    %get3A_45 = tpu.vector_load %arg12[%get3A_44] {strides = array<i32>} : memref<144xf32, #tpu.memory_space<vmem>>, vector<16xf32>,
    %get3A_46 = vector.shape_cast %get3A_45 : vector<16xf32> to vector<16xf32>
    %get3A_47 = arith.constant 128 : index
    %get3A_48 = tpu.vector_load %arg12[%get3A_47] {strides = array<i32>} : memref<144xf32, #tpu.memory_space<vmem>>, vector<16xf32>,
    %get3A_49 = vector.shape_cast %get3A_48 : vector<16xf32> to vector<16xf32>
    %broadcast_in_dim3A = arith.constant 0.000000e+00 : f32
    %broadcast_in_dim3A_50 = vector.broadcast %broadcast_in_dim3A : f32 to vector<16xf32>
    %scan3A = arith.constant 0 : i32
    %scan3A_51 = arith.constant 0 : i32
    %scan3A_52 = arith.constant 625 : i32
    %scan3A_53 = arith.addi %scan3A_51, %scan3A_52 : i32
    %scan3A_54 = arith.constant 1 : i32
    scf.for %scan3A_56 = %scan3A_51 to %scan3A_53 step %scan3A_54  : i32 {
      %mul3A_57 = arith.constant 16 : i32
      %mul3A_58 = arith.muli %scan3A_56, %mul3A_57 : i32
      %get3A_59 = arith.index_cast %mul3A_58 : i32 to index
      %get3A_60 = tpu.vector_load %arg7[%get3A_59] {strides = array<i32>} : memref<10000xi32, #tpu.memory_space<vmem>>, vector<16xi32>,
      %get3A_61 = vector.shape_cast %get3A_60 : vector<16xi32> to vector<16xi32>
      %get3A_62 = arith.index_cast %mul3A_58 : i32 to index
      %get3A_63 = tpu.vector_load %arg8[%get3A_62] {strides = array<i32>} : memref<10000xi32, #tpu.memory_space<vmem>>, vector<16xi32>,
      %get3A_64 = vector.shape_cast %get3A_63 : vector<16xi32> to vector<16xi32>
      %get3A_65 = arith.index_cast %mul3A_58 : i32 to index
      %get3A_66 = tpu.vector_load %arg9[%get3A_65] {strides = array<i32>} : memref<10000xf32, #tpu.memory_space<vmem>>, vector<16xf32>,
      %get3A_67 = vector.shape_cast %get3A_66 : vector<16xf32> to vector<16xf32>
      %eq3A = arith.cmpi eq, %get3A_64, %get3A_16 : vector<16xi32>
      %eq3A_68 = arith.cmpi eq, %get3A_64, %get3A_19 : vector<16xi32>
      %eq3A_69 = arith.cmpi eq, %get3A_64, %get3A_22 : vector<16xi32>
      %select_n3A = arith.select %eq3A, %get3A_25, %broadcast_in_dim3A_50 : vector<16xi1>, vector<16xf32>
      %select_n3A_70 = arith.select %eq3A_68, %get3A_28, %broadcast_in_dim3A_50 : vector<16xi1>, vector<16xf32>
      %add3A_71 = arith.addf %select_n3A, %select_n3A_70 : vector<16xf32>
      %select_n3A_72 = arith.select %eq3A_69, %get3A_31, %broadcast_in_dim3A_50 : vector<16xi1>, vector<16xf32>
      %add3A_73 = arith.addf %add3A_71, %select_n3A_72 : vector<16xf32>
      %eq3A_74 = arith.cmpi eq, %get3A_61, %get3A_16 : vector<16xi32>
      %select_n3A_75 = arith.select %eq3A_74, %add3A_73, %broadcast_in_dim3A_50 : vector<16xi1>, vector<16xf32>
      %add3A_76 = arith.addf %broadcast_in_dim3A_50, %select_n3A_75 : vector<16xf32>
      %select_n3A_77 = arith.select %eq3A, %get3A_34, %broadcast_in_dim3A_50 : vector<16xi1>, vector<16xf32>
      %select_n3A_78 = arith.select %eq3A_68, %get3A_37, %broadcast_in_dim3A_50 : vector<16xi1>, vector<16xf32>
      %add3A_79 = arith.addf %select_n3A_77, %select_n3A_78 : vector<16xf32>
      %select_n3A_80 = arith.select %eq3A_69, %get3A_40, %broadcast_in_dim3A_50 : vector<16xi1>, vector<16xf32>
      %add3A_81 = arith.addf %add3A_79, %select_n3A_80 : vector<16xf32>
      %eq3A_82 = arith.cmpi eq, %get3A_61, %get3A_19 : vector<16xi32>
      %select_n3A_83 = arith.select %eq3A_82, %add3A_81, %broadcast_in_dim3A_50 : vector<16xi1>, vector<16xf32>
      %add3A_84 = arith.addf %add3A_76, %select_n3A_83 : vector<16xf32>
      %select_n3A_85 = arith.select %eq3A, %get3A_43, %broadcast_in_dim3A_50 : vector<16xi1>, vector<16xf32>
      %select_n3A_86 = arith.select %eq3A_68, %get3A_46, %broadcast_in_dim3A_50 : vector<16xi1>, vector<16xf32>
      %add3A_87 = arith.addf %select_n3A_85, %select_n3A_86 : vector<16xf32>
      %select_n3A_88 = arith.select %eq3A_69, %get3A_49, %broadcast_in_dim3A_50 : vector<16xi1>, vector<16xf32>
      %add3A_89 = arith.addf %add3A_87, %select_n3A_88 : vector<16xf32>
      %eq3A_90 = arith.cmpi eq, %get3A_61, %get3A_22 : vector<16xi32>
      %select_n3A_91 = arith.select %eq3A_90, %add3A_89, %broadcast_in_dim3A_50 : vector<16xi1>, vector<16xf32>
      %add3A_92 = arith.addf %add3A_84, %select_n3A_91 : vector<16xf32>
      %mul3A_93 = arith.mulf %get3A_67, %add3A_92 : vector<16xf32>
      %swap3A = arith.index_cast %mul3A_58 : i32 to index
      %swap3A_94 = tpu.vector_load %arg10[%swap3A] {strides = array<i32>} : memref<10000xf32, #tpu.memory_space<vmem>>, vector<16xf32>,
      %swap3A_95 = vector.shape_cast %swap3A_94 : vector<16xf32> to vector<16xf32>
      %swap3A_96 = vector.shape_cast %mul3A_93 : vector<16xf32> to vector<16xf32>
      tpu.vector_store %arg10[%swap3A], %swap3A_96 {strides = array<i32>} : memref<10000xf32, #tpu.memory_space<vmem>>, vector<16xf32>,
    }
    %scan3A_55 = arith.constant 625 : i32
    "tpu.region"() ({
      %run_scoped3A = tpu.sem_alloc : memref<!tpu.dma_semaphore, #tpu.memory_space<semaphore_mem>>
      %dma_start3A_56 = tpu.memref_slice %arg6[%mul3A_2] : memref<320000xf32, #tpu.memory_space<hbm>> -> memref<10000xf32, #tpu.memory_space<hbm>>
      %dma_start3A_57 = tpu.memref_slice %arg6[%mul3A_2] : memref<320000xf32, #tpu.memory_space<hbm>> -> memref<10000xf32, #tpu.memory_space<hbm>>
      tpu.enqueue_dma source(%arg10 : memref<10000xf32, #tpu.memory_space<vmem>>) target(%dma_start3A_57 : memref<10000xf32, #tpu.memory_space<hbm>>) target_semaphore(%run_scoped3A : memref<!tpu.dma_semaphore, #tpu.memory_space<semaphore_mem>>)
      %dma_wait3A_58 = tpu.memref_slice %arg6[%mul3A_2] : memref<320000xf32, #tpu.memory_space<hbm>> -> memref<10000xf32, #tpu.memory_space<hbm>>
      %dma_wait3A_59 = tpu.memref_slice %arg6[%mul3A_2] : memref<320000xf32, #tpu.memory_space<hbm>> -> memref<10000xf32, #tpu.memory_space<hbm>>
      tpu.wait_dma2 semaphore(%run_scoped3A : memref<!tpu.dma_semaphore, #tpu.memory_space<semaphore_mem>>) src(%arg10 : memref<10000xf32, #tpu.memory_space<vmem>>) dst(%dma_wait3A_59 : memref<10000xf32, #tpu.memory_space<hbm>>)
      tpu.yield
    }) : () -> ()
    return
  }
}

module attributes {stable_mosaic.version = 14 : i64} {
  func.func @_xf_body(%arg0: memref<10000x128xf32, #tpu.memory_space<vmem>>, %arg1: memref<4xi32, #tpu.memory_space<smem>>, %arg2: memref<4xf32, #tpu.memory_space<smem>>, %arg3: memref<10000x128xf32, #tpu.memory_space<vmem>>) attributes {dimension_semantics = [], scalar_prefetch = 0 : i64, scratch_operands = 0 : i64, tpu.core_type = #tpu.core_type<tc>} {
    %broadcast_in_dim3A = arith.constant 0.000000e+00 : f32
    %broadcast_in_dim3A_0 = vector.broadcast %broadcast_in_dim3A : f32 to vector<10000x128xf32>
    %swap3A = arith.constant 0 : index
    %swap3A_1 = arith.constant 0 : index
    %swap3A_2 = vector.load %arg3[%swap3A, %swap3A_1] : memref<10000x128xf32, #tpu.memory_space<vmem>>, vector<10000x128xf32>
    tpu.vector_store %arg3[%swap3A, %swap3A_1], %broadcast_in_dim3A_0 {strides = array<i32>} : memref<10000x128xf32, #tpu.memory_space<vmem>>, vector<10000x128xf32>,
    %get3A = arith.constant 0 : index
    %get3A_3 = memref.load %arg1[%get3A] : memref<4xi32, #tpu.memory_space<smem>>
    %ge3A = arith.constant 0 : i32
    %ge3A_4 = arith.cmpi sge, %get3A_3, %ge3A : i32
    %convert_element_type3A = arith.extui %ge3A_4 : i1 to i32
    %cond3A = arith.constant 0 : i32
    %cond3A_5 = arith.cmpi ne, %convert_element_type3A, %cond3A : i32
    scf.if %cond3A_5 {
      %get3A_20 = arith.constant 0 : index
      %get3A_21 = memref.load %arg1[%get3A_20] : memref<4xi32, #tpu.memory_space<smem>>
      %get3A_22 = arith.index_cast %get3A_21 : i32 to index
      %get3A_23 = arith.constant 0 : index
      %get3A_24 = vector.load %arg0[%get3A_22, %get3A_23] : memref<10000x128xf32, #tpu.memory_space<vmem>>, vector<1x128xf32>
      %get3A_25 = arith.constant 0 : index
      %get3A_26 = memref.load %arg2[%get3A_25] : memref<4xf32, #tpu.memory_space<smem>>
      %mul3A = vector.broadcast %get3A_26 : f32 to vector<1x128xf32>
      %mul3A_27 = arith.mulf %get3A_24, %mul3A : vector<1x128xf32>
      %get3A_28 = arith.constant 0 : index
      %get3A_29 = memref.load %arg1[%get3A_28] : memref<4xi32, #tpu.memory_space<smem>>
      %swap3A_30 = arith.index_cast %get3A_29 : i32 to index
      %swap3A_31 = arith.constant 0 : index
      %swap3A_32 = vector.load %arg3[%swap3A_30, %swap3A_31] : memref<10000x128xf32, #tpu.memory_space<vmem>>, vector<1x128xf32>
      tpu.vector_store %arg3[%swap3A_30, %swap3A_31], %mul3A_27 {strides = array<i32>} : memref<10000x128xf32, #tpu.memory_space<vmem>>, vector<1x128xf32>,
    } else {
    }
    %get3A_6 = arith.constant 1 : index
    %get3A_7 = memref.load %arg1[%get3A_6] : memref<4xi32, #tpu.memory_space<smem>>
    %ge3A_8 = arith.constant 0 : i32
    %ge3A_9 = arith.cmpi sge, %get3A_7, %ge3A_8 : i32
    %convert_element_type3A_10 = arith.extui %ge3A_9 : i1 to i32
    %cond3A_11 = arith.constant 0 : i32
    %cond3A_12 = arith.cmpi ne, %convert_element_type3A_10, %cond3A_11 : i32
    scf.if %cond3A_12 {
      %get3A_20 = arith.constant 1 : index
      %get3A_21 = memref.load %arg1[%get3A_20] : memref<4xi32, #tpu.memory_space<smem>>
      %get3A_22 = arith.index_cast %get3A_21 : i32 to index
      %get3A_23 = arith.constant 0 : index
      %get3A_24 = vector.load %arg0[%get3A_22, %get3A_23] : memref<10000x128xf32, #tpu.memory_space<vmem>>, vector<1x128xf32>
      %get3A_25 = arith.constant 1 : index
      %get3A_26 = memref.load %arg2[%get3A_25] : memref<4xf32, #tpu.memory_space<smem>>
      %mul3A = vector.broadcast %get3A_26 : f32 to vector<1x128xf32>
      %mul3A_27 = arith.mulf %get3A_24, %mul3A : vector<1x128xf32>
      %get3A_28 = arith.constant 1 : index
      %get3A_29 = memref.load %arg1[%get3A_28] : memref<4xi32, #tpu.memory_space<smem>>
      %swap3A_30 = arith.index_cast %get3A_29 : i32 to index
      %swap3A_31 = arith.constant 0 : index
      %swap3A_32 = vector.load %arg3[%swap3A_30, %swap3A_31] : memref<10000x128xf32, #tpu.memory_space<vmem>>, vector<1x128xf32>
      tpu.vector_store %arg3[%swap3A_30, %swap3A_31], %mul3A_27 {strides = array<i32>} : memref<10000x128xf32, #tpu.memory_space<vmem>>, vector<1x128xf32>,
    } else {
    }
    %get3A_13 = arith.constant 2 : index
    %get3A_14 = memref.load %arg1[%get3A_13] : memref<4xi32, #tpu.memory_space<smem>>
    %ge3A_15 = arith.constant 0 : i32
    %ge3A_16 = arith.cmpi sge, %get3A_14, %ge3A_15 : i32
    %convert_element_type3A_17 = arith.extui %ge3A_16 : i1 to i32
    %cond3A_18 = arith.constant 0 : i32
    %cond3A_19 = arith.cmpi ne, %convert_element_type3A_17, %cond3A_18 : i32
    scf.if %cond3A_19 {
      %get3A_20 = arith.constant 2 : index
      %get3A_21 = memref.load %arg1[%get3A_20] : memref<4xi32, #tpu.memory_space<smem>>
      %get3A_22 = arith.index_cast %get3A_21 : i32 to index
      %get3A_23 = arith.constant 0 : index
      %get3A_24 = vector.load %arg0[%get3A_22, %get3A_23] : memref<10000x128xf32, #tpu.memory_space<vmem>>, vector<1x128xf32>
      %get3A_25 = arith.constant 2 : index
      %get3A_26 = memref.load %arg2[%get3A_25] : memref<4xf32, #tpu.memory_space<smem>>
      %mul3A = vector.broadcast %get3A_26 : f32 to vector<1x128xf32>
      %mul3A_27 = arith.mulf %get3A_24, %mul3A : vector<1x128xf32>
      %get3A_28 = arith.constant 2 : index
      %get3A_29 = memref.load %arg1[%get3A_28] : memref<4xi32, #tpu.memory_space<smem>>
      %swap3A_30 = arith.index_cast %get3A_29 : i32 to index
      %swap3A_31 = arith.constant 0 : index
      %swap3A_32 = vector.load %arg3[%swap3A_30, %swap3A_31] : memref<10000x128xf32, #tpu.memory_space<vmem>>, vector<1x128xf32>
      tpu.vector_store %arg3[%swap3A_30, %swap3A_31], %mul3A_27 {strides = array<i32>} : memref<10000x128xf32, #tpu.memory_space<vmem>>, vector<1x128xf32>,
    } else {
    }
    return
  }
}

module attributes {stable_mosaic.version = 14 : i64} {
  func.func @_tc_body(%arg0: memref<10000x128xf32, #tpu.memory_space<vmem>>, %arg1: memref<2x128xf32, #tpu.memory_space<vmem>>, %arg2: memref<128x128xf32, #tpu.memory_space<vmem>>, %arg3: memref<1x128xf32, #tpu.memory_space<vmem>>, %arg4: memref<1x128xf32, #tpu.memory_space<vmem>>, %arg5: memref<3xf32, #tpu.memory_space<smem>>, %arg6: memref<1x10000xf32, #tpu.memory_space<vmem>>, %arg7: memref<4xi32, #tpu.memory_space<smem>>, %arg8: memref<4xf32, #tpu.memory_space<smem>>, %arg9: memref<1x48xi32, #tpu.memory_space<vmem>>, %arg10: memref<1x144xf32, #tpu.memory_space<vmem>>) attributes {dimension_semantics = [], scalar_prefetch = 0 : i64, scratch_operands = 0 : i64, tpu.core_type = #tpu.core_type<tc>} {
    %get3A = arith.constant 0 : index
    %get3A_0 = arith.constant 0 : index
    %get3A_1 = vector.load %arg0[%get3A, %get3A_0] : memref<10000x128xf32, #tpu.memory_space<vmem>>, vector<10000x128xf32>
    %get3A_2 = arith.constant 0 : index
    %get3A_3 = arith.constant 0 : index
    %get3A_4 = vector.load %arg1[%get3A_2, %get3A_3] : memref<2x128xf32, #tpu.memory_space<vmem>>, vector<2x128xf32>
    %dot_general3A = arith.constant dense<0.000000e+00> : vector<2x10000xf32>
    %dot_general3A_5 = tpu.matmul %get3A_4, %get3A_1, %dot_general3A {dimension_numbers = #tpu.dot_dimension_numbers<[1], [1], [0], [0], [0, 0, 1, 0], [], []>, transpose_lhs_hint = false} : vector<2x128xf32>, vector<10000x128xf32>, vector<2x10000xf32> -> vector<2x10000xf32>
    %get3A_6 = arith.constant 0 : index
    %get3A_7 = arith.constant 0 : index
    %get3A_8 = vector.load %arg1[%get3A_6, %get3A_7] : memref<2x128xf32, #tpu.memory_space<vmem>>, vector<1x128xf32>
    %mul3A = arith.mulf %get3A_8, %get3A_8 : vector<1x128xf32>
    %reduce_sum3A = vector.shape_cast %mul3A : vector<1x128xf32> to vector<1x1x128xf32>
    %reduce_sum3A_9 = arith.constant dense<0.000000e+00> : vector<1xf32>
    %reduce_sum3A_10 = vector.multi_reduction <add>, %reduce_sum3A, %reduce_sum3A_9 [1, 2] : vector<1x1x128xf32> to vector<1xf32>
    %reduce_sum3A_11 = vector.shape_cast %reduce_sum3A_10 : vector<1xf32> to vector<1x1x1xf32>
    %reduce_sum3A_12 = vector.extract %reduce_sum3A_11[0, 0, 0] : f32 from vector<1x1x1xf32>
    %sqrt3A = math.sqrt %reduce_sum3A_12 : f32
    %slice3A = vector.extract_strided_slice %dot_general3A_5 {offsets = [0, 0], sizes = [1, 10000], strides = [1, 1]} : vector<2x10000xf32> to vector<1x10000xf32>
    %add3A = arith.constant 1.000000e-16 : f32
    %add3A_13 = arith.addf %sqrt3A, %add3A : f32
    %div3A = vector.broadcast %add3A_13 : f32 to vector<1x10000xf32>
    %div3A_14 = arith.divf %slice3A, %div3A : vector<1x10000xf32>
    %slice3A_15 = vector.extract_strided_slice %dot_general3A_5 {offsets = [1, 0], sizes = [1, 10000], strides = [1, 1]} : vector<2x10000xf32> to vector<1x10000xf32>
    %get3A_16 = arith.constant 0 : index
    %get3A_17 = arith.constant 0 : index
    %get3A_18 = vector.load %arg2[%get3A_16, %get3A_17] : memref<128x128xf32, #tpu.memory_space<vmem>>, vector<128x128xf32>
    %dot_general3A_19 = arith.constant dense<0.000000e+00> : vector<10000x128xf32>
    %dot_general3A_20 = tpu.matmul %get3A_1, %get3A_18, %dot_general3A_19 {dimension_numbers = #tpu.dot_dimension_numbers<[1], [0], [0], [1], [0, 0, 1, 1], [], []>, transpose_lhs_hint = false} : vector<10000x128xf32>, vector<128x128xf32>, vector<10000x128xf32> -> vector<10000x128xf32>
    %get3A_21 = arith.constant 0 : index
    %get3A_22 = arith.constant 0 : index
    %get3A_23 = vector.load %arg3[%get3A_21, %get3A_22] : memref<1x128xf32, #tpu.memory_space<vmem>>, vector<1x128xf32>
    %add3A_24 = vector.broadcast %get3A_23 : vector<1x128xf32> to vector<10000x128xf32>
    %add3A_25 = arith.addf %dot_general3A_20, %add3A_24 : vector<10000x128xf32>
    %tanh3A = math.tanh %add3A_25 : vector<10000x128xf32>
    %get3A_26 = arith.constant 0 : index
    %get3A_27 = arith.constant 0 : index
    %get3A_28 = vector.load %arg4[%get3A_26, %get3A_27] : memref<1x128xf32, #tpu.memory_space<vmem>>, vector<1x128xf32>
    %dot_general3A_29 = arith.constant dense<0.000000e+00> : vector<1x10000xf32>
    %dot_general3A_30 = tpu.matmul %get3A_28, %tanh3A, %dot_general3A_29 {dimension_numbers = #tpu.dot_dimension_numbers<[1], [1], [0], [0], [0, 0, 1, 0], [], []>, transpose_lhs_hint = false} : vector<1x128xf32>, vector<10000x128xf32>, vector<1x10000xf32> -> vector<1x10000xf32>
    %broadcast_in_dim3A = arith.constant 0xFF800000 : f32
    %broadcast_in_dim3A_31 = vector.broadcast %broadcast_in_dim3A : f32 to vector<1x240xf32>
    %iota3A = tpu.iota {dimensions = array<i32: 0>} : vector<8x1280xi32>
    %mul3A_32 = arith.constant 1280 : i32
    %mul3A_33 = vector.broadcast %mul3A_32 : i32 to vector<8x1280xi32>
    %mul3A_34 = arith.muli %iota3A, %mul3A_33 : vector<8x1280xi32>
    %iota3A_35 = tpu.iota {dimensions = array<i32: 1>} : vector<8x1280xi32>
    %add3A_36 = arith.addi %mul3A_34, %iota3A_35 : vector<8x1280xi32>
    %concatenate3A = tpu.concatenate %div3A_14, %broadcast_in_dim3A_31 in 1 : vector<1x10000xf32>, vector<1x240xf32> -> vector<1x10240xf32>
    %slice3A_37 = vector.extract_strided_slice %concatenate3A {offsets = [0, 0], sizes = [1, 1280], strides = [1, 1]} : vector<1x10240xf32> to vector<1x1280xf32>
    %slice3A_38 = vector.extract_strided_slice %concatenate3A {offsets = [0, 1280], sizes = [1, 1280], strides = [1, 1]} : vector<1x10240xf32> to vector<1x1280xf32>
    %slice3A_39 = vector.extract_strided_slice %concatenate3A {offsets = [0, 2560], sizes = [1, 1280], strides = [1, 1]} : vector<1x10240xf32> to vector<1x1280xf32>
    %slice3A_40 = vector.extract_strided_slice %concatenate3A {offsets = [0, 3840], sizes = [1, 1280], strides = [1, 1]} : vector<1x10240xf32> to vector<1x1280xf32>
    %slice3A_41 = vector.extract_strided_slice %concatenate3A {offsets = [0, 5120], sizes = [1, 1280], strides = [1, 1]} : vector<1x10240xf32> to vector<1x1280xf32>
    %slice3A_42 = vector.extract_strided_slice %concatenate3A {offsets = [0, 6400], sizes = [1, 1280], strides = [1, 1]} : vector<1x10240xf32> to vector<1x1280xf32>
    %slice3A_43 = vector.extract_strided_slice %concatenate3A {offsets = [0, 7680], sizes = [1, 1280], strides = [1, 1]} : vector<1x10240xf32> to vector<1x1280xf32>
    %slice3A_44 = vector.extract_strided_slice %concatenate3A {offsets = [0, 8960], sizes = [1, 1280], strides = [1, 1]} : vector<1x10240xf32> to vector<1x1280xf32>
    %concatenate3A_45 = tpu.concatenate %slice3A_37, %slice3A_38, %slice3A_39, %slice3A_40, %slice3A_41, %slice3A_42, %slice3A_43, %slice3A_44 in 0 : vector<1x1280xf32>, vector<1x1280xf32>, vector<1x1280xf32>, vector<1x1280xf32>, vector<1x1280xf32>, vector<1x1280xf32>, vector<1x1280xf32>, vector<1x1280xf32> -> vector<8x1280xf32>
    %bitcast_convert_type3A = tpu.bitcast %concatenate3A_45 : vector<8x1280xf32> -> vector<8x1280xi32>
    %ge3A = arith.constant 0 : i32
    %ge3A_46 = vector.broadcast %ge3A : i32 to vector<8x1280xi32>
    %ge3A_47 = arith.cmpi sge, %bitcast_convert_type3A, %ge3A_46 : vector<8x1280xi32>
    %xor3A = arith.constant 2147483647 : i32
    %xor3A_48 = vector.broadcast %xor3A : i32 to vector<8x1280xi32>
    %xor3A_49 = arith.xori %bitcast_convert_type3A, %xor3A_48 : vector<8x1280xi32>
    %select_n3A = arith.select %ge3A_47, %bitcast_convert_type3A, %xor3A_49 : vector<8x1280xi1>, vector<8x1280xi32>
    %lt3A = arith.constant 10000 : i32
    %lt3A_50 = vector.broadcast %lt3A : i32 to vector<8x1280xi32>
    %lt3A_51 = arith.cmpi slt, %add3A_36, %lt3A_50 : vector<8x1280xi32>
    %jit3A = arith.constant -2147483648 : i32
    %broadcast_in_dim3A_52 = vector.broadcast %jit3A : i32 to vector<8x1280xi32>
    %select_n3A_53 = arith.select %lt3A_51, %select_n3A, %broadcast_in_dim3A_52 : vector<8x1280xi1>, vector<8x1280xi32>
    %tanh3A_54 = math.tanh %concatenate3A_45 : vector<8x1280xf32>
    %ge3A_55 = arith.constant 0 : i32
    %ge3A_56 = vector.broadcast %ge3A_55 : i32 to vector<8x1280xi32>
    %ge3A_57 = arith.cmpi sge, %select_n3A_53, %ge3A_56 : vector<8x1280xi32>
    %jit3A_58 = arith.constant 1 : i32
    %jit3A_59 = arith.constant 0 : i32
    %broadcast_in_dim3A_60 = vector.broadcast %jit3A_58 : i32 to vector<8x1280xi32>
    %broadcast_in_dim3A_61 = vector.broadcast %jit3A_59 : i32 to vector<8x1280xi32>
    %select_n3A_62 = arith.select %ge3A_57, %broadcast_in_dim3A_60, %broadcast_in_dim3A_61 : vector<8x1280xi1>, vector<8x1280xi32>
    %reduce_sum3A_63 = vector.shape_cast %select_n3A_62 : vector<8x1280xi32> to vector<1x8x1280xi32>
    %reduce_sum3A_64 = arith.constant dense<0> : vector<1xi32>
    %reduce_sum3A_65 = vector.multi_reduction <add>, %reduce_sum3A_63, %reduce_sum3A_64 [1, 2] : vector<1x8x1280xi32> to vector<1xi32>
    %reduce_sum3A_66 = vector.shape_cast %reduce_sum3A_65 : vector<1xi32> to vector<1x1x1xi32>
    %reduce_sum3A_67 = vector.extract %reduce_sum3A_66[0, 0, 0] : i32 from vector<1x1x1xi32>
    %lt3A_68 = arith.constant 5000 : i32
    %lt3A_69 = arith.cmpi slt, %reduce_sum3A_67, %lt3A_68 : i32
    %jit3A_70 = arith.constant -2147483648 : i32
    %jit3A_71 = arith.constant 0 : i32
    %select_n3A_72 = arith.select %lt3A_69, %jit3A_70, %jit3A_71 : i32
    %jit3A_73 = arith.constant -1 : i32
    %jit3A_74 = arith.constant 2147483647 : i32
    %select_n3A_75 = arith.select %lt3A_69, %jit3A_73, %jit3A_74 : i32
    %scan3A = arith.constant 0 : i32
    %scan3A_76 = arith.constant 31 : i32
    %scan3A_77 = arith.addi %scan3A, %scan3A_76 : i32
    %scan3A_78 = arith.constant 1 : i32
    %scan3A_79:2 = scf.for %scan3A_949 = %scan3A to %scan3A_77 step %scan3A_78 iter_args(%scan3A_950 = %select_n3A_72, %scan3A_951 = %select_n3A_75) -> (i32, i32)  : i32 {
      %sub3A_952 = arith.subi %scan3A_951, %scan3A_950 : i32
      %shift_right_arithmetic3A = arith.constant 1 : i32
      %shift_right_arithmetic3A_953 = arith.shrsi %sub3A_952, %shift_right_arithmetic3A : i32
      %add3A_954 = arith.addi %scan3A_950, %shift_right_arithmetic3A_953 : i32
      %and3A_955 = arith.constant 1 : i32
      %and3A_956 = arith.andi %sub3A_952, %and3A_955 : i32
      %add3A_957 = arith.addi %add3A_954, %and3A_956 : i32
      %ge3A_958 = vector.broadcast %add3A_957 : i32 to vector<8x1280xi32>
      %ge3A_959 = arith.cmpi sge, %select_n3A_53, %ge3A_958 : vector<8x1280xi32>
      %jit3A_960 = arith.constant 1 : i32
      %jit3A_961 = arith.constant 0 : i32
      %broadcast_in_dim3A_962 = vector.broadcast %jit3A_960 : i32 to vector<8x1280xi32>
      %broadcast_in_dim3A_963 = vector.broadcast %jit3A_961 : i32 to vector<8x1280xi32>
      %select_n3A_964 = arith.select %ge3A_959, %broadcast_in_dim3A_962, %broadcast_in_dim3A_963 : vector<8x1280xi1>, vector<8x1280xi32>
      %reduce_sum3A_965 = vector.shape_cast %select_n3A_964 : vector<8x1280xi32> to vector<1x8x1280xi32>
      %reduce_sum3A_966 = arith.constant dense<0> : vector<1xi32>
      %reduce_sum3A_967 = vector.multi_reduction <add>, %reduce_sum3A_965, %reduce_sum3A_966 [1, 2] : vector<1x8x1280xi32> to vector<1xi32>
      %reduce_sum3A_968 = vector.shape_cast %reduce_sum3A_967 : vector<1xi32> to vector<1x1x1xi32>
      %reduce_sum3A_969 = vector.extract %reduce_sum3A_968[0, 0, 0] : i32 from vector<1x1x1xi32>
      %ge3A_970 = arith.constant 5000 : i32
      %ge3A_971 = arith.cmpi sge, %reduce_sum3A_969, %ge3A_970 : i32
      %select_n3A_972 = arith.select %ge3A_971, %add3A_957, %scan3A_950 : i32
      %sub3A_973 = arith.constant 1 : i32
      %sub3A_974 = arith.subi %add3A_957, %sub3A_973 : i32
      %select_n3A_975 = arith.select %ge3A_971, %scan3A_951, %sub3A_974 : i32
      scf.yield %select_n3A_972, %select_n3A_975 : i32, i32
    }
    %gt3A = vector.broadcast %scan3A_79#0 : i32 to vector<8x1280xi32>
    %gt3A_80 = arith.cmpi sgt, %select_n3A_53, %gt3A : vector<8x1280xi32>
    %jit3A_81 = arith.constant 1 : i32
    %jit3A_82 = arith.constant 0 : i32
    %broadcast_in_dim3A_83 = vector.broadcast %jit3A_81 : i32 to vector<8x1280xi32>
    %broadcast_in_dim3A_84 = vector.broadcast %jit3A_82 : i32 to vector<8x1280xi32>
    %select_n3A_85 = arith.select %gt3A_80, %broadcast_in_dim3A_83, %broadcast_in_dim3A_84 : vector<8x1280xi1>, vector<8x1280xi32>
    %reduce_sum3A_86 = vector.shape_cast %select_n3A_85 : vector<8x1280xi32> to vector<1x8x1280xi32>
    %reduce_sum3A_87 = arith.constant dense<0> : vector<1xi32>
    %reduce_sum3A_88 = vector.multi_reduction <add>, %reduce_sum3A_86, %reduce_sum3A_87 [1, 2] : vector<1x8x1280xi32> to vector<1xi32>
    %reduce_sum3A_89 = vector.shape_cast %reduce_sum3A_88 : vector<1xi32> to vector<1x1x1xi32>
    %reduce_sum3A_90 = vector.extract %reduce_sum3A_89[0, 0, 0] : i32 from vector<1x1x1xi32>
    %reduce_max3A = vector.shape_cast %select_n3A_53 : vector<8x1280xi32> to vector<1x8x1280xi32>
    %reduce_max3A_91 = arith.constant dense<-2147483648> : vector<1xi32>
    %reduce_max3A_92 = vector.multi_reduction <maxsi>, %reduce_max3A, %reduce_max3A_91 [1, 2] : vector<1x8x1280xi32> to vector<1xi32>
    %reduce_max3A_93 = vector.shape_cast %reduce_max3A_92 : vector<1xi32> to vector<1x1x1xi32>
    %reduce_max3A_94 = vector.extract %reduce_max3A_93[0, 0, 0] : i32 from vector<1x1x1xi32>
    %eq3A = vector.broadcast %reduce_max3A_94 : i32 to vector<8x1280xi32>
    %eq3A_95 = arith.cmpi eq, %select_n3A_53, %eq3A : vector<8x1280xi32>
    %jit3A_96 = arith.constant 2147483647 : i32
    %broadcast_in_dim3A_97 = vector.broadcast %jit3A_96 : i32 to vector<8x1280xi32>
    %select_n3A_98 = arith.select %eq3A_95, %add3A_36, %broadcast_in_dim3A_97 : vector<8x1280xi1>, vector<8x1280xi32>
    %reduce_min3A = vector.shape_cast %select_n3A_98 : vector<8x1280xi32> to vector<1x8x1280xi32>
    %reduce_min3A_99 = arith.constant dense<2147483647> : vector<1xi32>
    %reduce_min3A_100 = vector.multi_reduction <minsi>, %reduce_min3A, %reduce_min3A_99 [1, 2] : vector<1x8x1280xi32> to vector<1xi32>
    %reduce_min3A_101 = vector.shape_cast %reduce_min3A_100 : vector<1xi32> to vector<1x1x1xi32>
    %reduce_min3A_102 = vector.extract %reduce_min3A_101[0, 0, 0] : i32 from vector<1x1x1xi32>
    %concatenate3A_103 = tpu.concatenate %dot_general3A_30, %broadcast_in_dim3A_31 in 1 : vector<1x10000xf32>, vector<1x240xf32> -> vector<1x10240xf32>
    %slice3A_104 = vector.extract_strided_slice %concatenate3A_103 {offsets = [0, 0], sizes = [1, 1280], strides = [1, 1]} : vector<1x10240xf32> to vector<1x1280xf32>
    %slice3A_105 = vector.extract_strided_slice %concatenate3A_103 {offsets = [0, 1280], sizes = [1, 1280], strides = [1, 1]} : vector<1x10240xf32> to vector<1x1280xf32>
    %slice3A_106 = vector.extract_strided_slice %concatenate3A_103 {offsets = [0, 2560], sizes = [1, 1280], strides = [1, 1]} : vector<1x10240xf32> to vector<1x1280xf32>
    %slice3A_107 = vector.extract_strided_slice %concatenate3A_103 {offsets = [0, 3840], sizes = [1, 1280], strides = [1, 1]} : vector<1x10240xf32> to vector<1x1280xf32>
    %slice3A_108 = vector.extract_strided_slice %concatenate3A_103 {offsets = [0, 5120], sizes = [1, 1280], strides = [1, 1]} : vector<1x10240xf32> to vector<1x1280xf32>
    %slice3A_109 = vector.extract_strided_slice %concatenate3A_103 {offsets = [0, 6400], sizes = [1, 1280], strides = [1, 1]} : vector<1x10240xf32> to vector<1x1280xf32>
    %slice3A_110 = vector.extract_strided_slice %concatenate3A_103 {offsets = [0, 7680], sizes = [1, 1280], strides = [1, 1]} : vector<1x10240xf32> to vector<1x1280xf32>
    %slice3A_111 = vector.extract_strided_slice %concatenate3A_103 {offsets = [0, 8960], sizes = [1, 1280], strides = [1, 1]} : vector<1x10240xf32> to vector<1x1280xf32>
    %concatenate3A_112 = tpu.concatenate %slice3A_104, %slice3A_105, %slice3A_106, %slice3A_107, %slice3A_108, %slice3A_109, %slice3A_110, %slice3A_111 in 0 : vector<1x1280xf32>, vector<1x1280xf32>, vector<1x1280xf32>, vector<1x1280xf32>, vector<1x1280xf32>, vector<1x1280xf32>, vector<1x1280xf32>, vector<1x1280xf32> -> vector<8x1280xf32>
    %bitcast_convert_type3A_113 = tpu.bitcast %concatenate3A_112 : vector<8x1280xf32> -> vector<8x1280xi32>
    %ge3A_114 = arith.constant 0 : i32
    %ge3A_115 = vector.broadcast %ge3A_114 : i32 to vector<8x1280xi32>
    %ge3A_116 = arith.cmpi sge, %bitcast_convert_type3A_113, %ge3A_115 : vector<8x1280xi32>
    %xor3A_117 = arith.constant 2147483647 : i32
    %xor3A_118 = vector.broadcast %xor3A_117 : i32 to vector<8x1280xi32>
    %xor3A_119 = arith.xori %bitcast_convert_type3A_113, %xor3A_118 : vector<8x1280xi32>
    %select_n3A_120 = arith.select %ge3A_116, %bitcast_convert_type3A_113, %xor3A_119 : vector<8x1280xi1>, vector<8x1280xi32>
    %lt3A_121 = arith.constant 10000 : i32
    %lt3A_122 = vector.broadcast %lt3A_121 : i32 to vector<8x1280xi32>
    %lt3A_123 = arith.cmpi slt, %add3A_36, %lt3A_122 : vector<8x1280xi32>
    %jit3A_124 = arith.constant -2147483648 : i32
    %broadcast_in_dim3A_125 = vector.broadcast %jit3A_124 : i32 to vector<8x1280xi32>
    %select_n3A_126 = arith.select %lt3A_123, %select_n3A_120, %broadcast_in_dim3A_125 : vector<8x1280xi1>, vector<8x1280xi32>
    %tanh3A_127 = math.tanh %concatenate3A_112 : vector<8x1280xf32>
    %ge3A_128 = arith.constant 0 : i32
    %ge3A_129 = vector.broadcast %ge3A_128 : i32 to vector<8x1280xi32>
    %ge3A_130 = arith.cmpi sge, %select_n3A_126, %ge3A_129 : vector<8x1280xi32>
    %jit3A_131 = arith.constant 1 : i32
    %jit3A_132 = arith.constant 0 : i32
    %broadcast_in_dim3A_133 = vector.broadcast %jit3A_131 : i32 to vector<8x1280xi32>
    %broadcast_in_dim3A_134 = vector.broadcast %jit3A_132 : i32 to vector<8x1280xi32>
    %select_n3A_135 = arith.select %ge3A_130, %broadcast_in_dim3A_133, %broadcast_in_dim3A_134 : vector<8x1280xi1>, vector<8x1280xi32>
    %reduce_sum3A_136 = vector.shape_cast %select_n3A_135 : vector<8x1280xi32> to vector<1x8x1280xi32>
    %reduce_sum3A_137 = arith.constant dense<0> : vector<1xi32>
    %reduce_sum3A_138 = vector.multi_reduction <add>, %reduce_sum3A_136, %reduce_sum3A_137 [1, 2] : vector<1x8x1280xi32> to vector<1xi32>
    %reduce_sum3A_139 = vector.shape_cast %reduce_sum3A_138 : vector<1xi32> to vector<1x1x1xi32>
    %reduce_sum3A_140 = vector.extract %reduce_sum3A_139[0, 0, 0] : i32 from vector<1x1x1xi32>
    %lt3A_141 = arith.constant 5000 : i32
    %lt3A_142 = arith.cmpi slt, %reduce_sum3A_140, %lt3A_141 : i32
    %jit3A_143 = arith.constant -2147483648 : i32
    %jit3A_144 = arith.constant 0 : i32
    %select_n3A_145 = arith.select %lt3A_142, %jit3A_143, %jit3A_144 : i32
    %jit3A_146 = arith.constant -1 : i32
    %jit3A_147 = arith.constant 2147483647 : i32
    %select_n3A_148 = arith.select %lt3A_142, %jit3A_146, %jit3A_147 : i32
    %scan3A_149 = arith.constant 0 : i32
    %scan3A_150 = arith.constant 31 : i32
    %scan3A_151 = arith.addi %scan3A_149, %scan3A_150 : i32
    %scan3A_152 = arith.constant 1 : i32
    %scan3A_153:2 = scf.for %scan3A_949 = %scan3A_149 to %scan3A_151 step %scan3A_152 iter_args(%scan3A_950 = %select_n3A_145, %scan3A_951 = %select_n3A_148) -> (i32, i32)  : i32 {
      %sub3A_952 = arith.subi %scan3A_951, %scan3A_950 : i32
      %shift_right_arithmetic3A = arith.constant 1 : i32
      %shift_right_arithmetic3A_953 = arith.shrsi %sub3A_952, %shift_right_arithmetic3A : i32
      %add3A_954 = arith.addi %scan3A_950, %shift_right_arithmetic3A_953 : i32
      %and3A_955 = arith.constant 1 : i32
      %and3A_956 = arith.andi %sub3A_952, %and3A_955 : i32
      %add3A_957 = arith.addi %add3A_954, %and3A_956 : i32
      %ge3A_958 = vector.broadcast %add3A_957 : i32 to vector<8x1280xi32>
      %ge3A_959 = arith.cmpi sge, %select_n3A_126, %ge3A_958 : vector<8x1280xi32>
      %jit3A_960 = arith.constant 1 : i32
      %jit3A_961 = arith.constant 0 : i32
      %broadcast_in_dim3A_962 = vector.broadcast %jit3A_960 : i32 to vector<8x1280xi32>
      %broadcast_in_dim3A_963 = vector.broadcast %jit3A_961 : i32 to vector<8x1280xi32>
      %select_n3A_964 = arith.select %ge3A_959, %broadcast_in_dim3A_962, %broadcast_in_dim3A_963 : vector<8x1280xi1>, vector<8x1280xi32>
      %reduce_sum3A_965 = vector.shape_cast %select_n3A_964 : vector<8x1280xi32> to vector<1x8x1280xi32>
      %reduce_sum3A_966 = arith.constant dense<0> : vector<1xi32>
      %reduce_sum3A_967 = vector.multi_reduction <add>, %reduce_sum3A_965, %reduce_sum3A_966 [1, 2] : vector<1x8x1280xi32> to vector<1xi32>
      %reduce_sum3A_968 = vector.shape_cast %reduce_sum3A_967 : vector<1xi32> to vector<1x1x1xi32>
      %reduce_sum3A_969 = vector.extract %reduce_sum3A_968[0, 0, 0] : i32 from vector<1x1x1xi32>
      %ge3A_970 = arith.constant 5000 : i32
      %ge3A_971 = arith.cmpi sge, %reduce_sum3A_969, %ge3A_970 : i32
      %select_n3A_972 = arith.select %ge3A_971, %add3A_957, %scan3A_950 : i32
      %sub3A_973 = arith.constant 1 : i32
      %sub3A_974 = arith.subi %add3A_957, %sub3A_973 : i32
      %select_n3A_975 = arith.select %ge3A_971, %scan3A_951, %sub3A_974 : i32
      scf.yield %select_n3A_972, %select_n3A_975 : i32, i32
    }
    %gt3A_154 = vector.broadcast %scan3A_153#0 : i32 to vector<8x1280xi32>
    %gt3A_155 = arith.cmpi sgt, %select_n3A_126, %gt3A_154 : vector<8x1280xi32>
    %jit3A_156 = arith.constant 1 : i32
    %jit3A_157 = arith.constant 0 : i32
    %broadcast_in_dim3A_158 = vector.broadcast %jit3A_156 : i32 to vector<8x1280xi32>
    %broadcast_in_dim3A_159 = vector.broadcast %jit3A_157 : i32 to vector<8x1280xi32>
    %select_n3A_160 = arith.select %gt3A_155, %broadcast_in_dim3A_158, %broadcast_in_dim3A_159 : vector<8x1280xi1>, vector<8x1280xi32>
    %reduce_sum3A_161 = vector.shape_cast %select_n3A_160 : vector<8x1280xi32> to vector<1x8x1280xi32>
    %reduce_sum3A_162 = arith.constant dense<0> : vector<1xi32>
    %reduce_sum3A_163 = vector.multi_reduction <add>, %reduce_sum3A_161, %reduce_sum3A_162 [1, 2] : vector<1x8x1280xi32> to vector<1xi32>
    %reduce_sum3A_164 = vector.shape_cast %reduce_sum3A_163 : vector<1xi32> to vector<1x1x1xi32>
    %reduce_sum3A_165 = vector.extract %reduce_sum3A_164[0, 0, 0] : i32 from vector<1x1x1xi32>
    %reduce_max3A_166 = vector.shape_cast %select_n3A_126 : vector<8x1280xi32> to vector<1x8x1280xi32>
    %reduce_max3A_167 = arith.constant dense<-2147483648> : vector<1xi32>
    %reduce_max3A_168 = vector.multi_reduction <maxsi>, %reduce_max3A_166, %reduce_max3A_167 [1, 2] : vector<1x8x1280xi32> to vector<1xi32>
    %reduce_max3A_169 = vector.shape_cast %reduce_max3A_168 : vector<1xi32> to vector<1x1x1xi32>
    %reduce_max3A_170 = vector.extract %reduce_max3A_169[0, 0, 0] : i32 from vector<1x1x1xi32>
    %eq3A_171 = vector.broadcast %reduce_max3A_170 : i32 to vector<8x1280xi32>
    %eq3A_172 = arith.cmpi eq, %select_n3A_126, %eq3A_171 : vector<8x1280xi32>
    %jit3A_173 = arith.constant 2147483647 : i32
    %broadcast_in_dim3A_174 = vector.broadcast %jit3A_173 : i32 to vector<8x1280xi32>
    %select_n3A_175 = arith.select %eq3A_172, %add3A_36, %broadcast_in_dim3A_174 : vector<8x1280xi1>, vector<8x1280xi32>
    %reduce_min3A_176 = vector.shape_cast %select_n3A_175 : vector<8x1280xi32> to vector<1x8x1280xi32>
    %reduce_min3A_177 = arith.constant dense<2147483647> : vector<1xi32>
    %reduce_min3A_178 = vector.multi_reduction <minsi>, %reduce_min3A_176, %reduce_min3A_177 [1, 2] : vector<1x8x1280xi32> to vector<1xi32>
    %reduce_min3A_179 = vector.shape_cast %reduce_min3A_178 : vector<1xi32> to vector<1x1x1xi32>
    %reduce_min3A_180 = vector.extract %reduce_min3A_179[0, 0, 0] : i32 from vector<1x1x1xi32>
    %concatenate3A_181 = tpu.concatenate %slice3A_15, %broadcast_in_dim3A_31 in 1 : vector<1x10000xf32>, vector<1x240xf32> -> vector<1x10240xf32>
    %slice3A_182 = vector.extract_strided_slice %concatenate3A_181 {offsets = [0, 0], sizes = [1, 1280], strides = [1, 1]} : vector<1x10240xf32> to vector<1x1280xf32>
    %slice3A_183 = vector.extract_strided_slice %concatenate3A_181 {offsets = [0, 1280], sizes = [1, 1280], strides = [1, 1]} : vector<1x10240xf32> to vector<1x1280xf32>
    %slice3A_184 = vector.extract_strided_slice %concatenate3A_181 {offsets = [0, 2560], sizes = [1, 1280], strides = [1, 1]} : vector<1x10240xf32> to vector<1x1280xf32>
    %slice3A_185 = vector.extract_strided_slice %concatenate3A_181 {offsets = [0, 3840], sizes = [1, 1280], strides = [1, 1]} : vector<1x10240xf32> to vector<1x1280xf32>
    %slice3A_186 = vector.extract_strided_slice %concatenate3A_181 {offsets = [0, 5120], sizes = [1, 1280], strides = [1, 1]} : vector<1x10240xf32> to vector<1x1280xf32>
    %slice3A_187 = vector.extract_strided_slice %concatenate3A_181 {offsets = [0, 6400], sizes = [1, 1280], strides = [1, 1]} : vector<1x10240xf32> to vector<1x1280xf32>
    %slice3A_188 = vector.extract_strided_slice %concatenate3A_181 {offsets = [0, 7680], sizes = [1, 1280], strides = [1, 1]} : vector<1x10240xf32> to vector<1x1280xf32>
    %slice3A_189 = vector.extract_strided_slice %concatenate3A_181 {offsets = [0, 8960], sizes = [1, 1280], strides = [1, 1]} : vector<1x10240xf32> to vector<1x1280xf32>
    %concatenate3A_190 = tpu.concatenate %slice3A_182, %slice3A_183, %slice3A_184, %slice3A_185, %slice3A_186, %slice3A_187, %slice3A_188, %slice3A_189 in 0 : vector<1x1280xf32>, vector<1x1280xf32>, vector<1x1280xf32>, vector<1x1280xf32>, vector<1x1280xf32>, vector<1x1280xf32>, vector<1x1280xf32>, vector<1x1280xf32> -> vector<8x1280xf32>
    %bitcast_convert_type3A_191 = tpu.bitcast %concatenate3A_190 : vector<8x1280xf32> -> vector<8x1280xi32>
    %ge3A_192 = arith.constant 0 : i32
    %ge3A_193 = vector.broadcast %ge3A_192 : i32 to vector<8x1280xi32>
    %ge3A_194 = arith.cmpi sge, %bitcast_convert_type3A_191, %ge3A_193 : vector<8x1280xi32>
    %xor3A_195 = arith.constant 2147483647 : i32
    %xor3A_196 = vector.broadcast %xor3A_195 : i32 to vector<8x1280xi32>
    %xor3A_197 = arith.xori %bitcast_convert_type3A_191, %xor3A_196 : vector<8x1280xi32>
    %select_n3A_198 = arith.select %ge3A_194, %bitcast_convert_type3A_191, %xor3A_197 : vector<8x1280xi1>, vector<8x1280xi32>
    %lt3A_199 = arith.constant 10000 : i32
    %lt3A_200 = vector.broadcast %lt3A_199 : i32 to vector<8x1280xi32>
    %lt3A_201 = arith.cmpi slt, %add3A_36, %lt3A_200 : vector<8x1280xi32>
    %jit3A_202 = arith.constant -2147483648 : i32
    %broadcast_in_dim3A_203 = vector.broadcast %jit3A_202 : i32 to vector<8x1280xi32>
    %select_n3A_204 = arith.select %lt3A_201, %select_n3A_198, %broadcast_in_dim3A_203 : vector<8x1280xi1>, vector<8x1280xi32>
    %tanh3A_205 = math.tanh %concatenate3A_190 : vector<8x1280xf32>
    %ge3A_206 = arith.constant 0 : i32
    %ge3A_207 = vector.broadcast %ge3A_206 : i32 to vector<8x1280xi32>
    %ge3A_208 = arith.cmpi sge, %select_n3A_204, %ge3A_207 : vector<8x1280xi32>
    %jit3A_209 = arith.constant 1 : i32
    %jit3A_210 = arith.constant 0 : i32
    %broadcast_in_dim3A_211 = vector.broadcast %jit3A_209 : i32 to vector<8x1280xi32>
    %broadcast_in_dim3A_212 = vector.broadcast %jit3A_210 : i32 to vector<8x1280xi32>
    %select_n3A_213 = arith.select %ge3A_208, %broadcast_in_dim3A_211, %broadcast_in_dim3A_212 : vector<8x1280xi1>, vector<8x1280xi32>
    %reduce_sum3A_214 = vector.shape_cast %select_n3A_213 : vector<8x1280xi32> to vector<1x8x1280xi32>
    %reduce_sum3A_215 = arith.constant dense<0> : vector<1xi32>
    %reduce_sum3A_216 = vector.multi_reduction <add>, %reduce_sum3A_214, %reduce_sum3A_215 [1, 2] : vector<1x8x1280xi32> to vector<1xi32>
    %reduce_sum3A_217 = vector.shape_cast %reduce_sum3A_216 : vector<1xi32> to vector<1x1x1xi32>
    %reduce_sum3A_218 = vector.extract %reduce_sum3A_217[0, 0, 0] : i32 from vector<1x1x1xi32>
    %lt3A_219 = arith.constant 5000 : i32
    %lt3A_220 = arith.cmpi slt, %reduce_sum3A_218, %lt3A_219 : i32
    %jit3A_221 = arith.constant -2147483648 : i32
    %jit3A_222 = arith.constant 0 : i32
    %select_n3A_223 = arith.select %lt3A_220, %jit3A_221, %jit3A_222 : i32
    %jit3A_224 = arith.constant -1 : i32
    %jit3A_225 = arith.constant 2147483647 : i32
    %select_n3A_226 = arith.select %lt3A_220, %jit3A_224, %jit3A_225 : i32
    %scan3A_227 = arith.constant 0 : i32
    %scan3A_228 = arith.constant 31 : i32
    %scan3A_229 = arith.addi %scan3A_227, %scan3A_228 : i32
    %scan3A_230 = arith.constant 1 : i32
    %scan3A_231:2 = scf.for %scan3A_949 = %scan3A_227 to %scan3A_229 step %scan3A_230 iter_args(%scan3A_950 = %select_n3A_223, %scan3A_951 = %select_n3A_226) -> (i32, i32)  : i32 {
      %sub3A_952 = arith.subi %scan3A_951, %scan3A_950 : i32
      %shift_right_arithmetic3A = arith.constant 1 : i32
      %shift_right_arithmetic3A_953 = arith.shrsi %sub3A_952, %shift_right_arithmetic3A : i32
      %add3A_954 = arith.addi %scan3A_950, %shift_right_arithmetic3A_953 : i32
      %and3A_955 = arith.constant 1 : i32
      %and3A_956 = arith.andi %sub3A_952, %and3A_955 : i32
      %add3A_957 = arith.addi %add3A_954, %and3A_956 : i32
      %ge3A_958 = vector.broadcast %add3A_957 : i32 to vector<8x1280xi32>
      %ge3A_959 = arith.cmpi sge, %select_n3A_204, %ge3A_958 : vector<8x1280xi32>
      %jit3A_960 = arith.constant 1 : i32
      %jit3A_961 = arith.constant 0 : i32
      %broadcast_in_dim3A_962 = vector.broadcast %jit3A_960 : i32 to vector<8x1280xi32>
      %broadcast_in_dim3A_963 = vector.broadcast %jit3A_961 : i32 to vector<8x1280xi32>
      %select_n3A_964 = arith.select %ge3A_959, %broadcast_in_dim3A_962, %broadcast_in_dim3A_963 : vector<8x1280xi1>, vector<8x1280xi32>
      %reduce_sum3A_965 = vector.shape_cast %select_n3A_964 : vector<8x1280xi32> to vector<1x8x1280xi32>
      %reduce_sum3A_966 = arith.constant dense<0> : vector<1xi32>
      %reduce_sum3A_967 = vector.multi_reduction <add>, %reduce_sum3A_965, %reduce_sum3A_966 [1, 2] : vector<1x8x1280xi32> to vector<1xi32>
      %reduce_sum3A_968 = vector.shape_cast %reduce_sum3A_967 : vector<1xi32> to vector<1x1x1xi32>
      %reduce_sum3A_969 = vector.extract %reduce_sum3A_968[0, 0, 0] : i32 from vector<1x1x1xi32>
      %ge3A_970 = arith.constant 5000 : i32
      %ge3A_971 = arith.cmpi sge, %reduce_sum3A_969, %ge3A_970 : i32
      %select_n3A_972 = arith.select %ge3A_971, %add3A_957, %scan3A_950 : i32
      %sub3A_973 = arith.constant 1 : i32
      %sub3A_974 = arith.subi %add3A_957, %sub3A_973 : i32
      %select_n3A_975 = arith.select %ge3A_971, %scan3A_951, %sub3A_974 : i32
      scf.yield %select_n3A_972, %select_n3A_975 : i32, i32
    }
    %gt3A_232 = vector.broadcast %scan3A_231#0 : i32 to vector<8x1280xi32>
    %gt3A_233 = arith.cmpi sgt, %select_n3A_204, %gt3A_232 : vector<8x1280xi32>
    %jit3A_234 = arith.constant 1 : i32
    %jit3A_235 = arith.constant 0 : i32
    %broadcast_in_dim3A_236 = vector.broadcast %jit3A_234 : i32 to vector<8x1280xi32>
    %broadcast_in_dim3A_237 = vector.broadcast %jit3A_235 : i32 to vector<8x1280xi32>
    %select_n3A_238 = arith.select %gt3A_233, %broadcast_in_dim3A_236, %broadcast_in_dim3A_237 : vector<8x1280xi1>, vector<8x1280xi32>
    %reduce_sum3A_239 = vector.shape_cast %select_n3A_238 : vector<8x1280xi32> to vector<1x8x1280xi32>
    %reduce_sum3A_240 = arith.constant dense<0> : vector<1xi32>
    %reduce_sum3A_241 = vector.multi_reduction <add>, %reduce_sum3A_239, %reduce_sum3A_240 [1, 2] : vector<1x8x1280xi32> to vector<1xi32>
    %reduce_sum3A_242 = vector.shape_cast %reduce_sum3A_241 : vector<1xi32> to vector<1x1x1xi32>
    %reduce_sum3A_243 = vector.extract %reduce_sum3A_242[0, 0, 0] : i32 from vector<1x1x1xi32>
    %reduce_max3A_244 = vector.shape_cast %select_n3A_204 : vector<8x1280xi32> to vector<1x8x1280xi32>
    %reduce_max3A_245 = arith.constant dense<-2147483648> : vector<1xi32>
    %reduce_max3A_246 = vector.multi_reduction <maxsi>, %reduce_max3A_244, %reduce_max3A_245 [1, 2] : vector<1x8x1280xi32> to vector<1xi32>
    %reduce_max3A_247 = vector.shape_cast %reduce_max3A_246 : vector<1xi32> to vector<1x1x1xi32>
    %reduce_max3A_248 = vector.extract %reduce_max3A_247[0, 0, 0] : i32 from vector<1x1x1xi32>
    %eq3A_249 = vector.broadcast %reduce_max3A_248 : i32 to vector<8x1280xi32>
    %eq3A_250 = arith.cmpi eq, %select_n3A_204, %eq3A_249 : vector<8x1280xi32>
    %jit3A_251 = arith.constant 2147483647 : i32
    %broadcast_in_dim3A_252 = vector.broadcast %jit3A_251 : i32 to vector<8x1280xi32>
    %select_n3A_253 = arith.select %eq3A_250, %add3A_36, %broadcast_in_dim3A_252 : vector<8x1280xi1>, vector<8x1280xi32>
    %reduce_min3A_254 = vector.shape_cast %select_n3A_253 : vector<8x1280xi32> to vector<1x8x1280xi32>
    %reduce_min3A_255 = arith.constant dense<2147483647> : vector<1xi32>
    %reduce_min3A_256 = vector.multi_reduction <minsi>, %reduce_min3A_254, %reduce_min3A_255 [1, 2] : vector<1x8x1280xi32> to vector<1xi32>
    %reduce_min3A_257 = vector.shape_cast %reduce_min3A_256 : vector<1xi32> to vector<1x1x1xi32>
    %reduce_min3A_258 = vector.extract %reduce_min3A_257[0, 0, 0] : i32 from vector<1x1x1xi32>
    %get3A_259 = arith.constant 0 : index
    %get3A_260 = memref.load %arg5[%get3A_259] : memref<3xf32, #tpu.memory_space<smem>>
    %get3A_261 = arith.constant 1 : index
    %get3A_262 = memref.load %arg5[%get3A_261] : memref<3xf32, #tpu.memory_space<smem>>
    %get3A_263 = arith.constant 2 : index
    %get3A_264 = memref.load %arg5[%get3A_263] : memref<3xf32, #tpu.memory_space<smem>>
    %eq3A_265 = arith.cmpi eq, %reduce_min3A_180, %reduce_min3A_102 : i32
    %eq3A_266 = arith.cmpi eq, %reduce_min3A_258, %reduce_min3A_102 : i32
    %eq3A_267 = arith.cmpi eq, %reduce_min3A_258, %reduce_min3A_180 : i32
    %jit3A_268 = arith.constant 0.000000e+00 : f32
    %select_n3A_269 = arith.select %eq3A_265, %get3A_262, %jit3A_268 : f32
    %add3A_270 = arith.addf %get3A_260, %select_n3A_269 : f32
    %jit3A_271 = arith.constant 0.000000e+00 : f32
    %select_n3A_272 = arith.select %eq3A_266, %get3A_264, %jit3A_271 : f32
    %add3A_273 = arith.addf %add3A_270, %select_n3A_272 : f32
    %jit3A_274 = arith.constant 0.000000e+00 : f32
    %select_n3A_275 = arith.select %eq3A_267, %get3A_264, %jit3A_274 : f32
    %add3A_276 = arith.addf %get3A_262, %select_n3A_275 : f32
    %gt3A_277 = arith.constant 0.00999999977 : f32
    %gt3A_278 = arith.cmpf ogt, %add3A_273, %gt3A_277 : f32
    %not3A = arith.constant true
    %not3A_279 = arith.xori %eq3A_265, %not3A : i1
    %gt3A_280 = arith.constant 0.00999999977 : f32
    %gt3A_281 = arith.cmpf ogt, %add3A_276, %gt3A_280 : f32
    %and3A = arith.andi %not3A_279, %gt3A_281 : i1
    %not3A_282 = arith.constant true
    %not3A_283 = arith.xori %eq3A_266, %not3A_282 : i1
    %not3A_284 = arith.constant true
    %not3A_285 = arith.xori %eq3A_267, %not3A_284 : i1
    %gt3A_286 = arith.constant 0.00999999977 : f32
    %gt3A_287 = arith.cmpf ogt, %get3A_264, %gt3A_286 : f32
    %and3A_288 = arith.andi %not3A_285, %gt3A_287 : i1
    %and3A_289 = arith.andi %not3A_283, %and3A_288 : i1
    %jit3A_290 = arith.constant -1 : i32
    %select_n3A_291 = arith.select %gt3A_278, %reduce_min3A_102, %jit3A_290 : i32
    %jit3A_292 = arith.constant -1 : i32
    %select_n3A_293 = arith.select %and3A, %reduce_min3A_180, %jit3A_292 : i32
    %jit3A_294 = arith.constant -1 : i32
    %select_n3A_295 = arith.select %and3A_289, %reduce_min3A_258, %jit3A_294 : i32
    %eq3A_296 = vector.broadcast %reduce_min3A_102 : i32 to vector<8x1280xi32>
    %eq3A_297 = arith.cmpi eq, %add3A_36, %eq3A_296 : vector<8x1280xi32>
    %jit3A_298 = arith.constant 0 : i32
    %broadcast_in_dim3A_299 = vector.broadcast %jit3A_298 : i32 to vector<8x1280xi32>
    %select_n3A_300 = arith.select %eq3A_297, %select_n3A_53, %broadcast_in_dim3A_299 : vector<8x1280xi1>, vector<8x1280xi32>
    %reduce_sum3A_301 = vector.shape_cast %select_n3A_300 : vector<8x1280xi32> to vector<1x8x1280xi32>
    %reduce_sum3A_302 = arith.constant dense<0> : vector<1xi32>
    %reduce_sum3A_303 = vector.multi_reduction <add>, %reduce_sum3A_301, %reduce_sum3A_302 [1, 2] : vector<1x8x1280xi32> to vector<1xi32>
    %reduce_sum3A_304 = vector.shape_cast %reduce_sum3A_303 : vector<1xi32> to vector<1x1x1xi32>
    %reduce_sum3A_305 = vector.extract %reduce_sum3A_304[0, 0, 0] : i32 from vector<1x1x1xi32>
    %eq3A_306 = vector.broadcast %scan3A_79#0 : i32 to vector<8x1280xi32>
    %eq3A_307 = arith.cmpi eq, %select_n3A_53, %eq3A_306 : vector<8x1280xi32>
    %lt3A_308 = vector.broadcast %reduce_min3A_102 : i32 to vector<8x1280xi32>
    %lt3A_309 = arith.cmpi slt, %add3A_36, %lt3A_308 : vector<8x1280xi32>
    %and3A_310 = arith.andi %eq3A_307, %lt3A_309 : vector<8x1280xi1>
    %jit3A_311 = arith.constant 1 : i32
    %jit3A_312 = arith.constant 0 : i32
    %broadcast_in_dim3A_313 = vector.broadcast %jit3A_311 : i32 to vector<8x1280xi32>
    %broadcast_in_dim3A_314 = vector.broadcast %jit3A_312 : i32 to vector<8x1280xi32>
    %select_n3A_315 = arith.select %and3A_310, %broadcast_in_dim3A_313, %broadcast_in_dim3A_314 : vector<8x1280xi1>, vector<8x1280xi32>
    %reduce_sum3A_316 = vector.shape_cast %select_n3A_315 : vector<8x1280xi32> to vector<1x8x1280xi32>
    %reduce_sum3A_317 = arith.constant dense<0> : vector<1xi32>
    %reduce_sum3A_318 = vector.multi_reduction <add>, %reduce_sum3A_316, %reduce_sum3A_317 [1, 2] : vector<1x8x1280xi32> to vector<1xi32>
    %reduce_sum3A_319 = vector.shape_cast %reduce_sum3A_318 : vector<1xi32> to vector<1x1x1xi32>
    %reduce_sum3A_320 = vector.extract %reduce_sum3A_319[0, 0, 0] : i32 from vector<1x1x1xi32>
    %gt3A_321 = arith.cmpi sgt, %reduce_sum3A_305, %scan3A_79#0 : i32
    %eq3A_322 = arith.cmpi eq, %reduce_sum3A_305, %scan3A_79#0 : i32
    %add3A_323 = arith.addi %reduce_sum3A_90, %reduce_sum3A_320 : i32
    %lt3A_324 = arith.constant 5000 : i32
    %lt3A_325 = arith.cmpi slt, %add3A_323, %lt3A_324 : i32
    %and3A_326 = arith.andi %eq3A_322, %lt3A_325 : i1
    %or3A = arith.ori %gt3A_321, %and3A_326 : i1
    %jit3A_327 = arith.constant 1.000000e+00 : f32
    %jit3A_328 = arith.constant 0.000000e+00 : f32
    %select_n3A_329 = arith.select %or3A, %jit3A_327, %jit3A_328 : f32
    %jit3A_330 = arith.constant 0.000000e+00 : f32
    %broadcast_in_dim3A_331 = vector.broadcast %jit3A_330 : f32 to vector<8x1280xf32>
    %select_n3A_332 = arith.select %eq3A_297, %tanh3A_54, %broadcast_in_dim3A_331 : vector<8x1280xi1>, vector<8x1280xf32>
    %reduce_sum3A_333 = vector.shape_cast %select_n3A_332 : vector<8x1280xf32> to vector<1x8x1280xf32>
    %reduce_sum3A_334 = arith.constant dense<0.000000e+00> : vector<1xf32>
    %reduce_sum3A_335 = vector.multi_reduction <add>, %reduce_sum3A_333, %reduce_sum3A_334 [1, 2] : vector<1x8x1280xf32> to vector<1xf32>
    %reduce_sum3A_336 = vector.shape_cast %reduce_sum3A_335 : vector<1xf32> to vector<1x1x1xf32>
    %reduce_sum3A_337 = vector.extract %reduce_sum3A_336[0, 0, 0] : f32 from vector<1x1x1xf32>
    %eq3A_338 = vector.broadcast %reduce_min3A_180 : i32 to vector<8x1280xi32>
    %eq3A_339 = arith.cmpi eq, %add3A_36, %eq3A_338 : vector<8x1280xi32>
    %jit3A_340 = arith.constant 0 : i32
    %broadcast_in_dim3A_341 = vector.broadcast %jit3A_340 : i32 to vector<8x1280xi32>
    %select_n3A_342 = arith.select %eq3A_339, %select_n3A_53, %broadcast_in_dim3A_341 : vector<8x1280xi1>, vector<8x1280xi32>
    %reduce_sum3A_343 = vector.shape_cast %select_n3A_342 : vector<8x1280xi32> to vector<1x8x1280xi32>
    %reduce_sum3A_344 = arith.constant dense<0> : vector<1xi32>
    %reduce_sum3A_345 = vector.multi_reduction <add>, %reduce_sum3A_343, %reduce_sum3A_344 [1, 2] : vector<1x8x1280xi32> to vector<1xi32>
    %reduce_sum3A_346 = vector.shape_cast %reduce_sum3A_345 : vector<1xi32> to vector<1x1x1xi32>
    %reduce_sum3A_347 = vector.extract %reduce_sum3A_346[0, 0, 0] : i32 from vector<1x1x1xi32>
    %eq3A_348 = vector.broadcast %scan3A_79#0 : i32 to vector<8x1280xi32>
    %eq3A_349 = arith.cmpi eq, %select_n3A_53, %eq3A_348 : vector<8x1280xi32>
    %lt3A_350 = vector.broadcast %reduce_min3A_180 : i32 to vector<8x1280xi32>
    %lt3A_351 = arith.cmpi slt, %add3A_36, %lt3A_350 : vector<8x1280xi32>
    %and3A_352 = arith.andi %eq3A_349, %lt3A_351 : vector<8x1280xi1>
    %jit3A_353 = arith.constant 1 : i32
    %jit3A_354 = arith.constant 0 : i32
    %broadcast_in_dim3A_355 = vector.broadcast %jit3A_353 : i32 to vector<8x1280xi32>
    %broadcast_in_dim3A_356 = vector.broadcast %jit3A_354 : i32 to vector<8x1280xi32>
    %select_n3A_357 = arith.select %and3A_352, %broadcast_in_dim3A_355, %broadcast_in_dim3A_356 : vector<8x1280xi1>, vector<8x1280xi32>
    %reduce_sum3A_358 = vector.shape_cast %select_n3A_357 : vector<8x1280xi32> to vector<1x8x1280xi32>
    %reduce_sum3A_359 = arith.constant dense<0> : vector<1xi32>
    %reduce_sum3A_360 = vector.multi_reduction <add>, %reduce_sum3A_358, %reduce_sum3A_359 [1, 2] : vector<1x8x1280xi32> to vector<1xi32>
    %reduce_sum3A_361 = vector.shape_cast %reduce_sum3A_360 : vector<1xi32> to vector<1x1x1xi32>
    %reduce_sum3A_362 = vector.extract %reduce_sum3A_361[0, 0, 0] : i32 from vector<1x1x1xi32>
    %gt3A_363 = arith.cmpi sgt, %reduce_sum3A_347, %scan3A_79#0 : i32
    %eq3A_364 = arith.cmpi eq, %reduce_sum3A_347, %scan3A_79#0 : i32
    %add3A_365 = arith.addi %reduce_sum3A_90, %reduce_sum3A_362 : i32
    %lt3A_366 = arith.constant 5000 : i32
    %lt3A_367 = arith.cmpi slt, %add3A_365, %lt3A_366 : i32
    %and3A_368 = arith.andi %eq3A_364, %lt3A_367 : i1
    %or3A_369 = arith.ori %gt3A_363, %and3A_368 : i1
    %jit3A_370 = arith.constant 1.000000e+00 : f32
    %jit3A_371 = arith.constant 0.000000e+00 : f32
    %select_n3A_372 = arith.select %or3A_369, %jit3A_370, %jit3A_371 : f32
    %jit3A_373 = arith.constant 0.000000e+00 : f32
    %broadcast_in_dim3A_374 = vector.broadcast %jit3A_373 : f32 to vector<8x1280xf32>
    %select_n3A_375 = arith.select %eq3A_339, %tanh3A_54, %broadcast_in_dim3A_374 : vector<8x1280xi1>, vector<8x1280xf32>
    %reduce_sum3A_376 = vector.shape_cast %select_n3A_375 : vector<8x1280xf32> to vector<1x8x1280xf32>
    %reduce_sum3A_377 = arith.constant dense<0.000000e+00> : vector<1xf32>
    %reduce_sum3A_378 = vector.multi_reduction <add>, %reduce_sum3A_376, %reduce_sum3A_377 [1, 2] : vector<1x8x1280xf32> to vector<1xf32>
    %reduce_sum3A_379 = vector.shape_cast %reduce_sum3A_378 : vector<1xf32> to vector<1x1x1xf32>
    %reduce_sum3A_380 = vector.extract %reduce_sum3A_379[0, 0, 0] : f32 from vector<1x1x1xf32>
    %eq3A_381 = vector.broadcast %reduce_min3A_258 : i32 to vector<8x1280xi32>
    %eq3A_382 = arith.cmpi eq, %add3A_36, %eq3A_381 : vector<8x1280xi32>
    %jit3A_383 = arith.constant 0 : i32
    %broadcast_in_dim3A_384 = vector.broadcast %jit3A_383 : i32 to vector<8x1280xi32>
    %select_n3A_385 = arith.select %eq3A_382, %select_n3A_53, %broadcast_in_dim3A_384 : vector<8x1280xi1>, vector<8x1280xi32>
    %reduce_sum3A_386 = vector.shape_cast %select_n3A_385 : vector<8x1280xi32> to vector<1x8x1280xi32>
    %reduce_sum3A_387 = arith.constant dense<0> : vector<1xi32>
    %reduce_sum3A_388 = vector.multi_reduction <add>, %reduce_sum3A_386, %reduce_sum3A_387 [1, 2] : vector<1x8x1280xi32> to vector<1xi32>
    %reduce_sum3A_389 = vector.shape_cast %reduce_sum3A_388 : vector<1xi32> to vector<1x1x1xi32>
    %reduce_sum3A_390 = vector.extract %reduce_sum3A_389[0, 0, 0] : i32 from vector<1x1x1xi32>
    %eq3A_391 = vector.broadcast %scan3A_79#0 : i32 to vector<8x1280xi32>
    %eq3A_392 = arith.cmpi eq, %select_n3A_53, %eq3A_391 : vector<8x1280xi32>
    %lt3A_393 = vector.broadcast %reduce_min3A_258 : i32 to vector<8x1280xi32>
    %lt3A_394 = arith.cmpi slt, %add3A_36, %lt3A_393 : vector<8x1280xi32>
    %and3A_395 = arith.andi %eq3A_392, %lt3A_394 : vector<8x1280xi1>
    %jit3A_396 = arith.constant 1 : i32
    %jit3A_397 = arith.constant 0 : i32
    %broadcast_in_dim3A_398 = vector.broadcast %jit3A_396 : i32 to vector<8x1280xi32>
    %broadcast_in_dim3A_399 = vector.broadcast %jit3A_397 : i32 to vector<8x1280xi32>
    %select_n3A_400 = arith.select %and3A_395, %broadcast_in_dim3A_398, %broadcast_in_dim3A_399 : vector<8x1280xi1>, vector<8x1280xi32>
    %reduce_sum3A_401 = vector.shape_cast %select_n3A_400 : vector<8x1280xi32> to vector<1x8x1280xi32>
    %reduce_sum3A_402 = arith.constant dense<0> : vector<1xi32>
    %reduce_sum3A_403 = vector.multi_reduction <add>, %reduce_sum3A_401, %reduce_sum3A_402 [1, 2] : vector<1x8x1280xi32> to vector<1xi32>
    %reduce_sum3A_404 = vector.shape_cast %reduce_sum3A_403 : vector<1xi32> to vector<1x1x1xi32>
    %reduce_sum3A_405 = vector.extract %reduce_sum3A_404[0, 0, 0] : i32 from vector<1x1x1xi32>
    %gt3A_406 = arith.cmpi sgt, %reduce_sum3A_390, %scan3A_79#0 : i32
    %eq3A_407 = arith.cmpi eq, %reduce_sum3A_390, %scan3A_79#0 : i32
    %add3A_408 = arith.addi %reduce_sum3A_90, %reduce_sum3A_405 : i32
    %lt3A_409 = arith.constant 5000 : i32
    %lt3A_410 = arith.cmpi slt, %add3A_408, %lt3A_409 : i32
    %and3A_411 = arith.andi %eq3A_407, %lt3A_410 : i1
    %or3A_412 = arith.ori %gt3A_406, %and3A_411 : i1
    %jit3A_413 = arith.constant 1.000000e+00 : f32
    %jit3A_414 = arith.constant 0.000000e+00 : f32
    %select_n3A_415 = arith.select %or3A_412, %jit3A_413, %jit3A_414 : f32
    %jit3A_416 = arith.constant 0.000000e+00 : f32
    %broadcast_in_dim3A_417 = vector.broadcast %jit3A_416 : f32 to vector<8x1280xf32>
    %select_n3A_418 = arith.select %eq3A_382, %tanh3A_54, %broadcast_in_dim3A_417 : vector<8x1280xi1>, vector<8x1280xf32>
    %reduce_sum3A_419 = vector.shape_cast %select_n3A_418 : vector<8x1280xf32> to vector<1x8x1280xf32>
    %reduce_sum3A_420 = arith.constant dense<0.000000e+00> : vector<1xf32>
    %reduce_sum3A_421 = vector.multi_reduction <add>, %reduce_sum3A_419, %reduce_sum3A_420 [1, 2] : vector<1x8x1280xf32> to vector<1xf32>
    %reduce_sum3A_422 = vector.shape_cast %reduce_sum3A_421 : vector<1xf32> to vector<1x1x1xf32>
    %reduce_sum3A_423 = vector.extract %reduce_sum3A_422[0, 0, 0] : f32 from vector<1x1x1xf32>
    %eq3A_424 = vector.broadcast %reduce_min3A_102 : i32 to vector<8x1280xi32>
    %eq3A_425 = arith.cmpi eq, %add3A_36, %eq3A_424 : vector<8x1280xi32>
    %jit3A_426 = arith.constant 0 : i32
    %broadcast_in_dim3A_427 = vector.broadcast %jit3A_426 : i32 to vector<8x1280xi32>
    %select_n3A_428 = arith.select %eq3A_425, %select_n3A_126, %broadcast_in_dim3A_427 : vector<8x1280xi1>, vector<8x1280xi32>
    %reduce_sum3A_429 = vector.shape_cast %select_n3A_428 : vector<8x1280xi32> to vector<1x8x1280xi32>
    %reduce_sum3A_430 = arith.constant dense<0> : vector<1xi32>
    %reduce_sum3A_431 = vector.multi_reduction <add>, %reduce_sum3A_429, %reduce_sum3A_430 [1, 2] : vector<1x8x1280xi32> to vector<1xi32>
    %reduce_sum3A_432 = vector.shape_cast %reduce_sum3A_431 : vector<1xi32> to vector<1x1x1xi32>
    %reduce_sum3A_433 = vector.extract %reduce_sum3A_432[0, 0, 0] : i32 from vector<1x1x1xi32>
    %eq3A_434 = vector.broadcast %scan3A_153#0 : i32 to vector<8x1280xi32>
    %eq3A_435 = arith.cmpi eq, %select_n3A_126, %eq3A_434 : vector<8x1280xi32>
    %lt3A_436 = vector.broadcast %reduce_min3A_102 : i32 to vector<8x1280xi32>
    %lt3A_437 = arith.cmpi slt, %add3A_36, %lt3A_436 : vector<8x1280xi32>
    %and3A_438 = arith.andi %eq3A_435, %lt3A_437 : vector<8x1280xi1>
    %jit3A_439 = arith.constant 1 : i32
    %jit3A_440 = arith.constant 0 : i32
    %broadcast_in_dim3A_441 = vector.broadcast %jit3A_439 : i32 to vector<8x1280xi32>
    %broadcast_in_dim3A_442 = vector.broadcast %jit3A_440 : i32 to vector<8x1280xi32>
    %select_n3A_443 = arith.select %and3A_438, %broadcast_in_dim3A_441, %broadcast_in_dim3A_442 : vector<8x1280xi1>, vector<8x1280xi32>
    %reduce_sum3A_444 = vector.shape_cast %select_n3A_443 : vector<8x1280xi32> to vector<1x8x1280xi32>
    %reduce_sum3A_445 = arith.constant dense<0> : vector<1xi32>
    %reduce_sum3A_446 = vector.multi_reduction <add>, %reduce_sum3A_444, %reduce_sum3A_445 [1, 2] : vector<1x8x1280xi32> to vector<1xi32>
    %reduce_sum3A_447 = vector.shape_cast %reduce_sum3A_446 : vector<1xi32> to vector<1x1x1xi32>
    %reduce_sum3A_448 = vector.extract %reduce_sum3A_447[0, 0, 0] : i32 from vector<1x1x1xi32>
    %gt3A_449 = arith.cmpi sgt, %reduce_sum3A_433, %scan3A_153#0 : i32
    %eq3A_450 = arith.cmpi eq, %reduce_sum3A_433, %scan3A_153#0 : i32
    %add3A_451 = arith.addi %reduce_sum3A_165, %reduce_sum3A_448 : i32
    %lt3A_452 = arith.constant 5000 : i32
    %lt3A_453 = arith.cmpi slt, %add3A_451, %lt3A_452 : i32
    %and3A_454 = arith.andi %eq3A_450, %lt3A_453 : i1
    %or3A_455 = arith.ori %gt3A_449, %and3A_454 : i1
    %jit3A_456 = arith.constant 1.000000e+00 : f32
    %jit3A_457 = arith.constant 0.000000e+00 : f32
    %select_n3A_458 = arith.select %or3A_455, %jit3A_456, %jit3A_457 : f32
    %jit3A_459 = arith.constant 0.000000e+00 : f32
    %broadcast_in_dim3A_460 = vector.broadcast %jit3A_459 : f32 to vector<8x1280xf32>
    %select_n3A_461 = arith.select %eq3A_425, %tanh3A_127, %broadcast_in_dim3A_460 : vector<8x1280xi1>, vector<8x1280xf32>
    %reduce_sum3A_462 = vector.shape_cast %select_n3A_461 : vector<8x1280xf32> to vector<1x8x1280xf32>
    %reduce_sum3A_463 = arith.constant dense<0.000000e+00> : vector<1xf32>
    %reduce_sum3A_464 = vector.multi_reduction <add>, %reduce_sum3A_462, %reduce_sum3A_463 [1, 2] : vector<1x8x1280xf32> to vector<1xf32>
    %reduce_sum3A_465 = vector.shape_cast %reduce_sum3A_464 : vector<1xf32> to vector<1x1x1xf32>
    %reduce_sum3A_466 = vector.extract %reduce_sum3A_465[0, 0, 0] : f32 from vector<1x1x1xf32>
    %eq3A_467 = vector.broadcast %reduce_min3A_180 : i32 to vector<8x1280xi32>
    %eq3A_468 = arith.cmpi eq, %add3A_36, %eq3A_467 : vector<8x1280xi32>
    %jit3A_469 = arith.constant 0 : i32
    %broadcast_in_dim3A_470 = vector.broadcast %jit3A_469 : i32 to vector<8x1280xi32>
    %select_n3A_471 = arith.select %eq3A_468, %select_n3A_126, %broadcast_in_dim3A_470 : vector<8x1280xi1>, vector<8x1280xi32>
    %reduce_sum3A_472 = vector.shape_cast %select_n3A_471 : vector<8x1280xi32> to vector<1x8x1280xi32>
    %reduce_sum3A_473 = arith.constant dense<0> : vector<1xi32>
    %reduce_sum3A_474 = vector.multi_reduction <add>, %reduce_sum3A_472, %reduce_sum3A_473 [1, 2] : vector<1x8x1280xi32> to vector<1xi32>
    %reduce_sum3A_475 = vector.shape_cast %reduce_sum3A_474 : vector<1xi32> to vector<1x1x1xi32>
    %reduce_sum3A_476 = vector.extract %reduce_sum3A_475[0, 0, 0] : i32 from vector<1x1x1xi32>
    %eq3A_477 = vector.broadcast %scan3A_153#0 : i32 to vector<8x1280xi32>
    %eq3A_478 = arith.cmpi eq, %select_n3A_126, %eq3A_477 : vector<8x1280xi32>
    %lt3A_479 = vector.broadcast %reduce_min3A_180 : i32 to vector<8x1280xi32>
    %lt3A_480 = arith.cmpi slt, %add3A_36, %lt3A_479 : vector<8x1280xi32>
    %and3A_481 = arith.andi %eq3A_478, %lt3A_480 : vector<8x1280xi1>
    %jit3A_482 = arith.constant 1 : i32
    %jit3A_483 = arith.constant 0 : i32
    %broadcast_in_dim3A_484 = vector.broadcast %jit3A_482 : i32 to vector<8x1280xi32>
    %broadcast_in_dim3A_485 = vector.broadcast %jit3A_483 : i32 to vector<8x1280xi32>
    %select_n3A_486 = arith.select %and3A_481, %broadcast_in_dim3A_484, %broadcast_in_dim3A_485 : vector<8x1280xi1>, vector<8x1280xi32>
    %reduce_sum3A_487 = vector.shape_cast %select_n3A_486 : vector<8x1280xi32> to vector<1x8x1280xi32>
    %reduce_sum3A_488 = arith.constant dense<0> : vector<1xi32>
    %reduce_sum3A_489 = vector.multi_reduction <add>, %reduce_sum3A_487, %reduce_sum3A_488 [1, 2] : vector<1x8x1280xi32> to vector<1xi32>
    %reduce_sum3A_490 = vector.shape_cast %reduce_sum3A_489 : vector<1xi32> to vector<1x1x1xi32>
    %reduce_sum3A_491 = vector.extract %reduce_sum3A_490[0, 0, 0] : i32 from vector<1x1x1xi32>
    %gt3A_492 = arith.cmpi sgt, %reduce_sum3A_476, %scan3A_153#0 : i32
    %eq3A_493 = arith.cmpi eq, %reduce_sum3A_476, %scan3A_153#0 : i32
    %add3A_494 = arith.addi %reduce_sum3A_165, %reduce_sum3A_491 : i32
    %lt3A_495 = arith.constant 5000 : i32
    %lt3A_496 = arith.cmpi slt, %add3A_494, %lt3A_495 : i32
    %and3A_497 = arith.andi %eq3A_493, %lt3A_496 : i1
    %or3A_498 = arith.ori %gt3A_492, %and3A_497 : i1
    %jit3A_499 = arith.constant 1.000000e+00 : f32
    %jit3A_500 = arith.constant 0.000000e+00 : f32
    %select_n3A_501 = arith.select %or3A_498, %jit3A_499, %jit3A_500 : f32
    %jit3A_502 = arith.constant 0.000000e+00 : f32
    %broadcast_in_dim3A_503 = vector.broadcast %jit3A_502 : f32 to vector<8x1280xf32>
    %select_n3A_504 = arith.select %eq3A_468, %tanh3A_127, %broadcast_in_dim3A_503 : vector<8x1280xi1>, vector<8x1280xf32>
    %reduce_sum3A_505 = vector.shape_cast %select_n3A_504 : vector<8x1280xf32> to vector<1x8x1280xf32>
    %reduce_sum3A_506 = arith.constant dense<0.000000e+00> : vector<1xf32>
    %reduce_sum3A_507 = vector.multi_reduction <add>, %reduce_sum3A_505, %reduce_sum3A_506 [1, 2] : vector<1x8x1280xf32> to vector<1xf32>
    %reduce_sum3A_508 = vector.shape_cast %reduce_sum3A_507 : vector<1xf32> to vector<1x1x1xf32>
    %reduce_sum3A_509 = vector.extract %reduce_sum3A_508[0, 0, 0] : f32 from vector<1x1x1xf32>
    %eq3A_510 = vector.broadcast %reduce_min3A_258 : i32 to vector<8x1280xi32>
    %eq3A_511 = arith.cmpi eq, %add3A_36, %eq3A_510 : vector<8x1280xi32>
    %jit3A_512 = arith.constant 0 : i32
    %broadcast_in_dim3A_513 = vector.broadcast %jit3A_512 : i32 to vector<8x1280xi32>
    %select_n3A_514 = arith.select %eq3A_511, %select_n3A_126, %broadcast_in_dim3A_513 : vector<8x1280xi1>, vector<8x1280xi32>
    %reduce_sum3A_515 = vector.shape_cast %select_n3A_514 : vector<8x1280xi32> to vector<1x8x1280xi32>
    %reduce_sum3A_516 = arith.constant dense<0> : vector<1xi32>
    %reduce_sum3A_517 = vector.multi_reduction <add>, %reduce_sum3A_515, %reduce_sum3A_516 [1, 2] : vector<1x8x1280xi32> to vector<1xi32>
    %reduce_sum3A_518 = vector.shape_cast %reduce_sum3A_517 : vector<1xi32> to vector<1x1x1xi32>
    %reduce_sum3A_519 = vector.extract %reduce_sum3A_518[0, 0, 0] : i32 from vector<1x1x1xi32>
    %eq3A_520 = vector.broadcast %scan3A_153#0 : i32 to vector<8x1280xi32>
    %eq3A_521 = arith.cmpi eq, %select_n3A_126, %eq3A_520 : vector<8x1280xi32>
    %lt3A_522 = vector.broadcast %reduce_min3A_258 : i32 to vector<8x1280xi32>
    %lt3A_523 = arith.cmpi slt, %add3A_36, %lt3A_522 : vector<8x1280xi32>
    %and3A_524 = arith.andi %eq3A_521, %lt3A_523 : vector<8x1280xi1>
    %jit3A_525 = arith.constant 1 : i32
    %jit3A_526 = arith.constant 0 : i32
    %broadcast_in_dim3A_527 = vector.broadcast %jit3A_525 : i32 to vector<8x1280xi32>
    %broadcast_in_dim3A_528 = vector.broadcast %jit3A_526 : i32 to vector<8x1280xi32>
    %select_n3A_529 = arith.select %and3A_524, %broadcast_in_dim3A_527, %broadcast_in_dim3A_528 : vector<8x1280xi1>, vector<8x1280xi32>
    %reduce_sum3A_530 = vector.shape_cast %select_n3A_529 : vector<8x1280xi32> to vector<1x8x1280xi32>
    %reduce_sum3A_531 = arith.constant dense<0> : vector<1xi32>
    %reduce_sum3A_532 = vector.multi_reduction <add>, %reduce_sum3A_530, %reduce_sum3A_531 [1, 2] : vector<1x8x1280xi32> to vector<1xi32>
    %reduce_sum3A_533 = vector.shape_cast %reduce_sum3A_532 : vector<1xi32> to vector<1x1x1xi32>
    %reduce_sum3A_534 = vector.extract %reduce_sum3A_533[0, 0, 0] : i32 from vector<1x1x1xi32>
    %gt3A_535 = arith.cmpi sgt, %reduce_sum3A_519, %scan3A_153#0 : i32
    %eq3A_536 = arith.cmpi eq, %reduce_sum3A_519, %scan3A_153#0 : i32
    %add3A_537 = arith.addi %reduce_sum3A_165, %reduce_sum3A_534 : i32
    %lt3A_538 = arith.constant 5000 : i32
    %lt3A_539 = arith.cmpi slt, %add3A_537, %lt3A_538 : i32
    %and3A_540 = arith.andi %eq3A_536, %lt3A_539 : i1
    %or3A_541 = arith.ori %gt3A_535, %and3A_540 : i1
    %jit3A_542 = arith.constant 1.000000e+00 : f32
    %jit3A_543 = arith.constant 0.000000e+00 : f32
    %select_n3A_544 = arith.select %or3A_541, %jit3A_542, %jit3A_543 : f32
    %jit3A_545 = arith.constant 0.000000e+00 : f32
    %broadcast_in_dim3A_546 = vector.broadcast %jit3A_545 : f32 to vector<8x1280xf32>
    %select_n3A_547 = arith.select %eq3A_511, %tanh3A_127, %broadcast_in_dim3A_546 : vector<8x1280xi1>, vector<8x1280xf32>
    %reduce_sum3A_548 = vector.shape_cast %select_n3A_547 : vector<8x1280xf32> to vector<1x8x1280xf32>
    %reduce_sum3A_549 = arith.constant dense<0.000000e+00> : vector<1xf32>
    %reduce_sum3A_550 = vector.multi_reduction <add>, %reduce_sum3A_548, %reduce_sum3A_549 [1, 2] : vector<1x8x1280xf32> to vector<1xf32>
    %reduce_sum3A_551 = vector.shape_cast %reduce_sum3A_550 : vector<1xf32> to vector<1x1x1xf32>
    %reduce_sum3A_552 = vector.extract %reduce_sum3A_551[0, 0, 0] : f32 from vector<1x1x1xf32>
    %eq3A_553 = vector.broadcast %reduce_min3A_102 : i32 to vector<8x1280xi32>
    %eq3A_554 = arith.cmpi eq, %add3A_36, %eq3A_553 : vector<8x1280xi32>
    %jit3A_555 = arith.constant 0 : i32
    %broadcast_in_dim3A_556 = vector.broadcast %jit3A_555 : i32 to vector<8x1280xi32>
    %select_n3A_557 = arith.select %eq3A_554, %select_n3A_204, %broadcast_in_dim3A_556 : vector<8x1280xi1>, vector<8x1280xi32>
    %reduce_sum3A_558 = vector.shape_cast %select_n3A_557 : vector<8x1280xi32> to vector<1x8x1280xi32>
    %reduce_sum3A_559 = arith.constant dense<0> : vector<1xi32>
    %reduce_sum3A_560 = vector.multi_reduction <add>, %reduce_sum3A_558, %reduce_sum3A_559 [1, 2] : vector<1x8x1280xi32> to vector<1xi32>
    %reduce_sum3A_561 = vector.shape_cast %reduce_sum3A_560 : vector<1xi32> to vector<1x1x1xi32>
    %reduce_sum3A_562 = vector.extract %reduce_sum3A_561[0, 0, 0] : i32 from vector<1x1x1xi32>
    %eq3A_563 = vector.broadcast %scan3A_231#0 : i32 to vector<8x1280xi32>
    %eq3A_564 = arith.cmpi eq, %select_n3A_204, %eq3A_563 : vector<8x1280xi32>
    %lt3A_565 = vector.broadcast %reduce_min3A_102 : i32 to vector<8x1280xi32>
    %lt3A_566 = arith.cmpi slt, %add3A_36, %lt3A_565 : vector<8x1280xi32>
    %and3A_567 = arith.andi %eq3A_564, %lt3A_566 : vector<8x1280xi1>
    %jit3A_568 = arith.constant 1 : i32
    %jit3A_569 = arith.constant 0 : i32
    %broadcast_in_dim3A_570 = vector.broadcast %jit3A_568 : i32 to vector<8x1280xi32>
    %broadcast_in_dim3A_571 = vector.broadcast %jit3A_569 : i32 to vector<8x1280xi32>
    %select_n3A_572 = arith.select %and3A_567, %broadcast_in_dim3A_570, %broadcast_in_dim3A_571 : vector<8x1280xi1>, vector<8x1280xi32>
    %reduce_sum3A_573 = vector.shape_cast %select_n3A_572 : vector<8x1280xi32> to vector<1x8x1280xi32>
    %reduce_sum3A_574 = arith.constant dense<0> : vector<1xi32>
    %reduce_sum3A_575 = vector.multi_reduction <add>, %reduce_sum3A_573, %reduce_sum3A_574 [1, 2] : vector<1x8x1280xi32> to vector<1xi32>
    %reduce_sum3A_576 = vector.shape_cast %reduce_sum3A_575 : vector<1xi32> to vector<1x1x1xi32>
    %reduce_sum3A_577 = vector.extract %reduce_sum3A_576[0, 0, 0] : i32 from vector<1x1x1xi32>
    %gt3A_578 = arith.cmpi sgt, %reduce_sum3A_562, %scan3A_231#0 : i32
    %eq3A_579 = arith.cmpi eq, %reduce_sum3A_562, %scan3A_231#0 : i32
    %add3A_580 = arith.addi %reduce_sum3A_243, %reduce_sum3A_577 : i32
    %lt3A_581 = arith.constant 5000 : i32
    %lt3A_582 = arith.cmpi slt, %add3A_580, %lt3A_581 : i32
    %and3A_583 = arith.andi %eq3A_579, %lt3A_582 : i1
    %or3A_584 = arith.ori %gt3A_578, %and3A_583 : i1
    %jit3A_585 = arith.constant 1.000000e+00 : f32
    %jit3A_586 = arith.constant 0.000000e+00 : f32
    %select_n3A_587 = arith.select %or3A_584, %jit3A_585, %jit3A_586 : f32
    %jit3A_588 = arith.constant 0.000000e+00 : f32
    %broadcast_in_dim3A_589 = vector.broadcast %jit3A_588 : f32 to vector<8x1280xf32>
    %select_n3A_590 = arith.select %eq3A_554, %tanh3A_205, %broadcast_in_dim3A_589 : vector<8x1280xi1>, vector<8x1280xf32>
    %reduce_sum3A_591 = vector.shape_cast %select_n3A_590 : vector<8x1280xf32> to vector<1x8x1280xf32>
    %reduce_sum3A_592 = arith.constant dense<0.000000e+00> : vector<1xf32>
    %reduce_sum3A_593 = vector.multi_reduction <add>, %reduce_sum3A_591, %reduce_sum3A_592 [1, 2] : vector<1x8x1280xf32> to vector<1xf32>
    %reduce_sum3A_594 = vector.shape_cast %reduce_sum3A_593 : vector<1xf32> to vector<1x1x1xf32>
    %reduce_sum3A_595 = vector.extract %reduce_sum3A_594[0, 0, 0] : f32 from vector<1x1x1xf32>
    %eq3A_596 = vector.broadcast %reduce_min3A_180 : i32 to vector<8x1280xi32>
    %eq3A_597 = arith.cmpi eq, %add3A_36, %eq3A_596 : vector<8x1280xi32>
    %jit3A_598 = arith.constant 0 : i32
    %broadcast_in_dim3A_599 = vector.broadcast %jit3A_598 : i32 to vector<8x1280xi32>
    %select_n3A_600 = arith.select %eq3A_597, %select_n3A_204, %broadcast_in_dim3A_599 : vector<8x1280xi1>, vector<8x1280xi32>
    %reduce_sum3A_601 = vector.shape_cast %select_n3A_600 : vector<8x1280xi32> to vector<1x8x1280xi32>
    %reduce_sum3A_602 = arith.constant dense<0> : vector<1xi32>
    %reduce_sum3A_603 = vector.multi_reduction <add>, %reduce_sum3A_601, %reduce_sum3A_602 [1, 2] : vector<1x8x1280xi32> to vector<1xi32>
    %reduce_sum3A_604 = vector.shape_cast %reduce_sum3A_603 : vector<1xi32> to vector<1x1x1xi32>
    %reduce_sum3A_605 = vector.extract %reduce_sum3A_604[0, 0, 0] : i32 from vector<1x1x1xi32>
    %eq3A_606 = vector.broadcast %scan3A_231#0 : i32 to vector<8x1280xi32>
    %eq3A_607 = arith.cmpi eq, %select_n3A_204, %eq3A_606 : vector<8x1280xi32>
    %lt3A_608 = vector.broadcast %reduce_min3A_180 : i32 to vector<8x1280xi32>
    %lt3A_609 = arith.cmpi slt, %add3A_36, %lt3A_608 : vector<8x1280xi32>
    %and3A_610 = arith.andi %eq3A_607, %lt3A_609 : vector<8x1280xi1>
    %jit3A_611 = arith.constant 1 : i32
    %jit3A_612 = arith.constant 0 : i32
    %broadcast_in_dim3A_613 = vector.broadcast %jit3A_611 : i32 to vector<8x1280xi32>
    %broadcast_in_dim3A_614 = vector.broadcast %jit3A_612 : i32 to vector<8x1280xi32>
    %select_n3A_615 = arith.select %and3A_610, %broadcast_in_dim3A_613, %broadcast_in_dim3A_614 : vector<8x1280xi1>, vector<8x1280xi32>
    %reduce_sum3A_616 = vector.shape_cast %select_n3A_615 : vector<8x1280xi32> to vector<1x8x1280xi32>
    %reduce_sum3A_617 = arith.constant dense<0> : vector<1xi32>
    %reduce_sum3A_618 = vector.multi_reduction <add>, %reduce_sum3A_616, %reduce_sum3A_617 [1, 2] : vector<1x8x1280xi32> to vector<1xi32>
    %reduce_sum3A_619 = vector.shape_cast %reduce_sum3A_618 : vector<1xi32> to vector<1x1x1xi32>
    %reduce_sum3A_620 = vector.extract %reduce_sum3A_619[0, 0, 0] : i32 from vector<1x1x1xi32>
    %gt3A_621 = arith.cmpi sgt, %reduce_sum3A_605, %scan3A_231#0 : i32
    %eq3A_622 = arith.cmpi eq, %reduce_sum3A_605, %scan3A_231#0 : i32
    %add3A_623 = arith.addi %reduce_sum3A_243, %reduce_sum3A_620 : i32
    %lt3A_624 = arith.constant 5000 : i32
    %lt3A_625 = arith.cmpi slt, %add3A_623, %lt3A_624 : i32
    %and3A_626 = arith.andi %eq3A_622, %lt3A_625 : i1
    %or3A_627 = arith.ori %gt3A_621, %and3A_626 : i1
    %jit3A_628 = arith.constant 1.000000e+00 : f32
    %jit3A_629 = arith.constant 0.000000e+00 : f32
    %select_n3A_630 = arith.select %or3A_627, %jit3A_628, %jit3A_629 : f32
    %jit3A_631 = arith.constant 0.000000e+00 : f32
    %broadcast_in_dim3A_632 = vector.broadcast %jit3A_631 : f32 to vector<8x1280xf32>
    %select_n3A_633 = arith.select %eq3A_597, %tanh3A_205, %broadcast_in_dim3A_632 : vector<8x1280xi1>, vector<8x1280xf32>
    %reduce_sum3A_634 = vector.shape_cast %select_n3A_633 : vector<8x1280xf32> to vector<1x8x1280xf32>
    %reduce_sum3A_635 = arith.constant dense<0.000000e+00> : vector<1xf32>
    %reduce_sum3A_636 = vector.multi_reduction <add>, %reduce_sum3A_634, %reduce_sum3A_635 [1, 2] : vector<1x8x1280xf32> to vector<1xf32>
    %reduce_sum3A_637 = vector.shape_cast %reduce_sum3A_636 : vector<1xf32> to vector<1x1x1xf32>
    %reduce_sum3A_638 = vector.extract %reduce_sum3A_637[0, 0, 0] : f32 from vector<1x1x1xf32>
    %eq3A_639 = vector.broadcast %reduce_min3A_258 : i32 to vector<8x1280xi32>
    %eq3A_640 = arith.cmpi eq, %add3A_36, %eq3A_639 : vector<8x1280xi32>
    %jit3A_641 = arith.constant 0 : i32
    %broadcast_in_dim3A_642 = vector.broadcast %jit3A_641 : i32 to vector<8x1280xi32>
    %select_n3A_643 = arith.select %eq3A_640, %select_n3A_204, %broadcast_in_dim3A_642 : vector<8x1280xi1>, vector<8x1280xi32>
    %reduce_sum3A_644 = vector.shape_cast %select_n3A_643 : vector<8x1280xi32> to vector<1x8x1280xi32>
    %reduce_sum3A_645 = arith.constant dense<0> : vector<1xi32>
    %reduce_sum3A_646 = vector.multi_reduction <add>, %reduce_sum3A_644, %reduce_sum3A_645 [1, 2] : vector<1x8x1280xi32> to vector<1xi32>
    %reduce_sum3A_647 = vector.shape_cast %reduce_sum3A_646 : vector<1xi32> to vector<1x1x1xi32>
    %reduce_sum3A_648 = vector.extract %reduce_sum3A_647[0, 0, 0] : i32 from vector<1x1x1xi32>
    %eq3A_649 = vector.broadcast %scan3A_231#0 : i32 to vector<8x1280xi32>
    %eq3A_650 = arith.cmpi eq, %select_n3A_204, %eq3A_649 : vector<8x1280xi32>
    %lt3A_651 = vector.broadcast %reduce_min3A_258 : i32 to vector<8x1280xi32>
    %lt3A_652 = arith.cmpi slt, %add3A_36, %lt3A_651 : vector<8x1280xi32>
    %and3A_653 = arith.andi %eq3A_650, %lt3A_652 : vector<8x1280xi1>
    %jit3A_654 = arith.constant 1 : i32
    %jit3A_655 = arith.constant 0 : i32
    %broadcast_in_dim3A_656 = vector.broadcast %jit3A_654 : i32 to vector<8x1280xi32>
    %broadcast_in_dim3A_657 = vector.broadcast %jit3A_655 : i32 to vector<8x1280xi32>
    %select_n3A_658 = arith.select %and3A_653, %broadcast_in_dim3A_656, %broadcast_in_dim3A_657 : vector<8x1280xi1>, vector<8x1280xi32>
    %reduce_sum3A_659 = vector.shape_cast %select_n3A_658 : vector<8x1280xi32> to vector<1x8x1280xi32>
    %reduce_sum3A_660 = arith.constant dense<0> : vector<1xi32>
    %reduce_sum3A_661 = vector.multi_reduction <add>, %reduce_sum3A_659, %reduce_sum3A_660 [1, 2] : vector<1x8x1280xi32> to vector<1xi32>
    %reduce_sum3A_662 = vector.shape_cast %reduce_sum3A_661 : vector<1xi32> to vector<1x1x1xi32>
    %reduce_sum3A_663 = vector.extract %reduce_sum3A_662[0, 0, 0] : i32 from vector<1x1x1xi32>
    %gt3A_664 = arith.cmpi sgt, %reduce_sum3A_648, %scan3A_231#0 : i32
    %eq3A_665 = arith.cmpi eq, %reduce_sum3A_648, %scan3A_231#0 : i32
    %add3A_666 = arith.addi %reduce_sum3A_243, %reduce_sum3A_663 : i32
    %lt3A_667 = arith.constant 5000 : i32
    %lt3A_668 = arith.cmpi slt, %add3A_666, %lt3A_667 : i32
    %and3A_669 = arith.andi %eq3A_665, %lt3A_668 : i1
    %or3A_670 = arith.ori %gt3A_664, %and3A_669 : i1
    %jit3A_671 = arith.constant 1.000000e+00 : f32
    %jit3A_672 = arith.constant 0.000000e+00 : f32
    %select_n3A_673 = arith.select %or3A_670, %jit3A_671, %jit3A_672 : f32
    %jit3A_674 = arith.constant 0.000000e+00 : f32
    %broadcast_in_dim3A_675 = vector.broadcast %jit3A_674 : f32 to vector<8x1280xf32>
    %select_n3A_676 = arith.select %eq3A_640, %tanh3A_205, %broadcast_in_dim3A_675 : vector<8x1280xi1>, vector<8x1280xf32>
    %reduce_sum3A_677 = vector.shape_cast %select_n3A_676 : vector<8x1280xf32> to vector<1x8x1280xf32>
    %reduce_sum3A_678 = arith.constant dense<0.000000e+00> : vector<1xf32>
    %reduce_sum3A_679 = vector.multi_reduction <add>, %reduce_sum3A_677, %reduce_sum3A_678 [1, 2] : vector<1x8x1280xf32> to vector<1xf32>
    %reduce_sum3A_680 = vector.shape_cast %reduce_sum3A_679 : vector<1xf32> to vector<1x1x1xf32>
    %reduce_sum3A_681 = vector.extract %reduce_sum3A_680[0, 0, 0] : f32 from vector<1x1x1xf32>
    %mul3A_682 = arith.mulf %get3A_260, %reduce_sum3A_337 : f32
    %mul3A_683 = arith.mulf %mul3A_682, %select_n3A_329 : f32
    %mul3A_684 = arith.mulf %get3A_262, %reduce_sum3A_466 : f32
    %mul3A_685 = arith.mulf %mul3A_684, %select_n3A_458 : f32
    %add3A_686 = arith.addf %mul3A_683, %mul3A_685 : f32
    %mul3A_687 = arith.mulf %get3A_264, %reduce_sum3A_595 : f32
    %mul3A_688 = arith.mulf %mul3A_687, %select_n3A_587 : f32
    %add3A_689 = arith.addf %add3A_686, %mul3A_688 : f32
    %swap3A = arith.constant 0 : index
    %swap3A_690 = memref.load %arg7[%swap3A] : memref<4xi32, #tpu.memory_space<smem>>
    memref.store %select_n3A_291, %arg7[%swap3A] : memref<4xi32, #tpu.memory_space<smem>>
    %swap3A_691 = arith.constant 0 : index
    %swap3A_692 = memref.load %arg8[%swap3A_691] : memref<4xf32, #tpu.memory_space<smem>>
    memref.store %add3A_689, %arg8[%swap3A_691] : memref<4xf32, #tpu.memory_space<smem>>
    %mul3A_693 = arith.mulf %get3A_260, %select_n3A_329 : f32
    %mul3A_694 = arith.mulf %mul3A_693, %select_n3A_329 : f32
    %mul3A_695 = arith.mulf %get3A_262, %select_n3A_458 : f32
    %mul3A_696 = arith.mulf %mul3A_695, %select_n3A_458 : f32
    %add3A_697 = arith.addf %mul3A_694, %mul3A_696 : f32
    %mul3A_698 = arith.mulf %get3A_264, %select_n3A_587 : f32
    %mul3A_699 = arith.mulf %mul3A_698, %select_n3A_587 : f32
    %add3A_700 = arith.addf %add3A_697, %mul3A_699 : f32
    %mul3A_701 = arith.mulf %get3A_260, %select_n3A_329 : f32
    %mul3A_702 = arith.mulf %mul3A_701, %select_n3A_372 : f32
    %mul3A_703 = arith.mulf %get3A_262, %select_n3A_458 : f32
    %mul3A_704 = arith.mulf %mul3A_703, %select_n3A_501 : f32
    %add3A_705 = arith.addf %mul3A_702, %mul3A_704 : f32
    %mul3A_706 = arith.mulf %get3A_264, %select_n3A_587 : f32
    %mul3A_707 = arith.mulf %mul3A_706, %select_n3A_630 : f32
    %add3A_708 = arith.addf %add3A_705, %mul3A_707 : f32
    %mul3A_709 = arith.mulf %get3A_260, %select_n3A_329 : f32
    %mul3A_710 = arith.mulf %mul3A_709, %select_n3A_415 : f32
    %mul3A_711 = arith.mulf %get3A_262, %select_n3A_458 : f32
    %mul3A_712 = arith.mulf %mul3A_711, %select_n3A_544 : f32
    %add3A_713 = arith.addf %mul3A_710, %mul3A_712 : f32
    %mul3A_714 = arith.mulf %get3A_264, %select_n3A_587 : f32
    %mul3A_715 = arith.mulf %mul3A_714, %select_n3A_673 : f32
    %add3A_716 = arith.addf %add3A_713, %mul3A_715 : f32
    %mul3A_717 = arith.mulf %get3A_260, %reduce_sum3A_380 : f32
    %mul3A_718 = arith.mulf %mul3A_717, %select_n3A_372 : f32
    %mul3A_719 = arith.mulf %get3A_262, %reduce_sum3A_509 : f32
    %mul3A_720 = arith.mulf %mul3A_719, %select_n3A_501 : f32
    %add3A_721 = arith.addf %mul3A_718, %mul3A_720 : f32
    %mul3A_722 = arith.mulf %get3A_264, %reduce_sum3A_638 : f32
    %mul3A_723 = arith.mulf %mul3A_722, %select_n3A_630 : f32
    %add3A_724 = arith.addf %add3A_721, %mul3A_723 : f32
    %swap3A_725 = arith.constant 1 : index
    %swap3A_726 = memref.load %arg7[%swap3A_725] : memref<4xi32, #tpu.memory_space<smem>>
    memref.store %select_n3A_293, %arg7[%swap3A_725] : memref<4xi32, #tpu.memory_space<smem>>
    %swap3A_727 = arith.constant 1 : index
    %swap3A_728 = memref.load %arg8[%swap3A_727] : memref<4xf32, #tpu.memory_space<smem>>
    memref.store %add3A_724, %arg8[%swap3A_727] : memref<4xf32, #tpu.memory_space<smem>>
    %mul3A_729 = arith.mulf %get3A_260, %select_n3A_372 : f32
    %mul3A_730 = arith.mulf %mul3A_729, %select_n3A_329 : f32
    %mul3A_731 = arith.mulf %get3A_262, %select_n3A_501 : f32
    %mul3A_732 = arith.mulf %mul3A_731, %select_n3A_458 : f32
    %add3A_733 = arith.addf %mul3A_730, %mul3A_732 : f32
    %mul3A_734 = arith.mulf %get3A_264, %select_n3A_630 : f32
    %mul3A_735 = arith.mulf %mul3A_734, %select_n3A_587 : f32
    %add3A_736 = arith.addf %add3A_733, %mul3A_735 : f32
    %mul3A_737 = arith.mulf %get3A_260, %select_n3A_372 : f32
    %mul3A_738 = arith.mulf %mul3A_737, %select_n3A_372 : f32
    %mul3A_739 = arith.mulf %get3A_262, %select_n3A_501 : f32
    %mul3A_740 = arith.mulf %mul3A_739, %select_n3A_501 : f32
    %add3A_741 = arith.addf %mul3A_738, %mul3A_740 : f32
    %mul3A_742 = arith.mulf %get3A_264, %select_n3A_630 : f32
    %mul3A_743 = arith.mulf %mul3A_742, %select_n3A_630 : f32
    %add3A_744 = arith.addf %add3A_741, %mul3A_743 : f32
    %mul3A_745 = arith.mulf %get3A_260, %select_n3A_372 : f32
    %mul3A_746 = arith.mulf %mul3A_745, %select_n3A_415 : f32
    %mul3A_747 = arith.mulf %get3A_262, %select_n3A_501 : f32
    %mul3A_748 = arith.mulf %mul3A_747, %select_n3A_544 : f32
    %add3A_749 = arith.addf %mul3A_746, %mul3A_748 : f32
    %mul3A_750 = arith.mulf %get3A_264, %select_n3A_630 : f32
    %mul3A_751 = arith.mulf %mul3A_750, %select_n3A_673 : f32
    %add3A_752 = arith.addf %add3A_749, %mul3A_751 : f32
    %mul3A_753 = arith.mulf %get3A_260, %reduce_sum3A_423 : f32
    %mul3A_754 = arith.mulf %mul3A_753, %select_n3A_415 : f32
    %mul3A_755 = arith.mulf %get3A_262, %reduce_sum3A_552 : f32
    %mul3A_756 = arith.mulf %mul3A_755, %select_n3A_544 : f32
    %add3A_757 = arith.addf %mul3A_754, %mul3A_756 : f32
    %mul3A_758 = arith.mulf %get3A_264, %reduce_sum3A_681 : f32
    %mul3A_759 = arith.mulf %mul3A_758, %select_n3A_673 : f32
    %add3A_760 = arith.addf %add3A_757, %mul3A_759 : f32
    %swap3A_761 = arith.constant 2 : index
    %swap3A_762 = memref.load %arg7[%swap3A_761] : memref<4xi32, #tpu.memory_space<smem>>
    memref.store %select_n3A_295, %arg7[%swap3A_761] : memref<4xi32, #tpu.memory_space<smem>>
    %swap3A_763 = arith.constant 2 : index
    %swap3A_764 = memref.load %arg8[%swap3A_763] : memref<4xf32, #tpu.memory_space<smem>>
    memref.store %add3A_760, %arg8[%swap3A_763] : memref<4xf32, #tpu.memory_space<smem>>
    %mul3A_765 = arith.mulf %get3A_260, %select_n3A_415 : f32
    %mul3A_766 = arith.mulf %mul3A_765, %select_n3A_329 : f32
    %mul3A_767 = arith.mulf %get3A_262, %select_n3A_544 : f32
    %mul3A_768 = arith.mulf %mul3A_767, %select_n3A_458 : f32
    %add3A_769 = arith.addf %mul3A_766, %mul3A_768 : f32
    %mul3A_770 = arith.mulf %get3A_264, %select_n3A_673 : f32
    %mul3A_771 = arith.mulf %mul3A_770, %select_n3A_587 : f32
    %add3A_772 = arith.addf %add3A_769, %mul3A_771 : f32
    %mul3A_773 = arith.mulf %get3A_260, %select_n3A_415 : f32
    %mul3A_774 = arith.mulf %mul3A_773, %select_n3A_372 : f32
    %mul3A_775 = arith.mulf %get3A_262, %select_n3A_544 : f32
    %mul3A_776 = arith.mulf %mul3A_775, %select_n3A_501 : f32
    %add3A_777 = arith.addf %mul3A_774, %mul3A_776 : f32
    %mul3A_778 = arith.mulf %get3A_264, %select_n3A_673 : f32
    %mul3A_779 = arith.mulf %mul3A_778, %select_n3A_630 : f32
    %add3A_780 = arith.addf %add3A_777, %mul3A_779 : f32
    %mul3A_781 = arith.mulf %get3A_260, %select_n3A_415 : f32
    %mul3A_782 = arith.mulf %mul3A_781, %select_n3A_415 : f32
    %mul3A_783 = arith.mulf %get3A_262, %select_n3A_544 : f32
    %mul3A_784 = arith.mulf %mul3A_783, %select_n3A_544 : f32
    %add3A_785 = arith.addf %mul3A_782, %mul3A_784 : f32
    %mul3A_786 = arith.mulf %get3A_264, %select_n3A_673 : f32
    %mul3A_787 = arith.mulf %mul3A_786, %select_n3A_673 : f32
    %add3A_788 = arith.addf %add3A_785, %mul3A_787 : f32
    %swap3A_789 = arith.constant 0 : i32
    %swap3A_790 = arith.constant 3 : index
    %swap3A_791 = memref.load %arg7[%swap3A_790] : memref<4xi32, #tpu.memory_space<smem>>
    memref.store %swap3A_789, %arg7[%swap3A_790] : memref<4xi32, #tpu.memory_space<smem>>
    %swap3A_792 = arith.constant 0.000000e+00 : f32
    %swap3A_793 = arith.constant 3 : index
    %swap3A_794 = memref.load %arg8[%swap3A_793] : memref<4xf32, #tpu.memory_space<smem>>
    memref.store %swap3A_792, %arg8[%swap3A_793] : memref<4xf32, #tpu.memory_space<smem>>
    %iota3A_795 = tpu.iota {dimensions = array<i32: 1>} : vector<1x48xi32>
    %jit3A_796 = arith.constant 16 : i32
    %div3A_797 = vector.broadcast %jit3A_796 : i32 to vector<1x48xi32>
    %div3A_798 = arith.divsi %iota3A_795, %div3A_797 : vector<1x48xi32>
    %sign3A = arith.constant 0 : i32
    %sign3A_799 = vector.broadcast %sign3A : i32 to vector<1x48xi32>
    %sign3A_800 = arith.cmpi sgt, %iota3A_795, %sign3A_799 : vector<1x48xi32>
    %sign3A_801 = arith.extui %sign3A_800 : vector<1x48xi1> to vector<1x48xi32>
    %sign3A_802 = arith.constant 0 : i32
    %sign3A_803 = vector.broadcast %sign3A_802 : i32 to vector<1x48xi32>
    %sign3A_804 = arith.cmpi slt, %iota3A_795, %sign3A_803 : vector<1x48xi32>
    %sign3A_805 = arith.extui %sign3A_804 : vector<1x48xi1> to vector<1x48xi32>
    %sign3A_806 = arith.subi %sign3A_801, %sign3A_805 : vector<1x48xi32>
    %sign3A_807 = arith.constant 0 : i32
    %sign3A_808 = arith.cmpi sgt, %jit3A_796, %sign3A_807 : i32
    %sign3A_809 = arith.extui %sign3A_808 : i1 to i32
    %sign3A_810 = arith.constant 0 : i32
    %sign3A_811 = arith.cmpi slt, %jit3A_796, %sign3A_810 : i32
    %sign3A_812 = arith.extui %sign3A_811 : i1 to i32
    %sign3A_813 = arith.subi %sign3A_809, %sign3A_812 : i32
    %ne3A = vector.broadcast %sign3A_813 : i32 to vector<1x48xi32>
    %ne3A_814 = arith.cmpi ne, %sign3A_806, %ne3A : vector<1x48xi32>
    %rem3A = vector.broadcast %jit3A_796 : i32 to vector<1x48xi32>
    %rem3A_815 = arith.remsi %iota3A_795, %rem3A : vector<1x48xi32>
    %ne3A_816 = arith.constant 0 : i32
    %ne3A_817 = vector.broadcast %ne3A_816 : i32 to vector<1x48xi32>
    %ne3A_818 = arith.cmpi ne, %rem3A_815, %ne3A_817 : vector<1x48xi32>
    %and3A_819 = arith.andi %ne3A_814, %ne3A_818 : vector<1x48xi1>
    %sub3A = arith.constant 1 : i32
    %sub3A_820 = vector.broadcast %sub3A : i32 to vector<1x48xi32>
    %sub3A_821 = arith.subi %div3A_798, %sub3A_820 : vector<1x48xi32>
    %select_n3A_822 = arith.select %and3A_819, %sub3A_821, %div3A_798 : vector<1x48xi1>, vector<1x48xi32>
    %eq3A_823 = arith.constant 0 : i32
    %eq3A_824 = vector.broadcast %eq3A_823 : i32 to vector<1x48xi32>
    %eq3A_825 = arith.cmpi eq, %select_n3A_822, %eq3A_824 : vector<1x48xi32>
    %eq3A_826 = arith.constant 1 : i32
    %eq3A_827 = vector.broadcast %eq3A_826 : i32 to vector<1x48xi32>
    %eq3A_828 = arith.cmpi eq, %select_n3A_822, %eq3A_827 : vector<1x48xi32>
    %broadcast_in_dim3A_829 = vector.broadcast %select_n3A_293 : i32 to vector<1x48xi32>
    %broadcast_in_dim3A_830 = vector.broadcast %select_n3A_295 : i32 to vector<1x48xi32>
    %select_n3A_831 = arith.select %eq3A_828, %broadcast_in_dim3A_829, %broadcast_in_dim3A_830 : vector<1x48xi1>, vector<1x48xi32>
    %broadcast_in_dim3A_832 = vector.broadcast %select_n3A_291 : i32 to vector<1x48xi32>
    %select_n3A_833 = arith.select %eq3A_825, %broadcast_in_dim3A_832, %select_n3A_831 : vector<1x48xi1>, vector<1x48xi32>
    %swap3A_834 = arith.constant 0 : index
    %swap3A_835 = arith.constant 0 : index
    %swap3A_836 = vector.load %arg9[%swap3A_834, %swap3A_835] : memref<1x48xi32, #tpu.memory_space<vmem>>, vector<1x48xi32>
    tpu.vector_store %arg9[%swap3A_834, %swap3A_835], %select_n3A_833 {strides = array<i32>} : memref<1x48xi32, #tpu.memory_space<vmem>>, vector<1x48xi32>,
    %iota3A_837 = tpu.iota {dimensions = array<i32: 1>} : vector<1x144xi32>
    %jit3A_838 = arith.constant 16 : i32
    %div3A_839 = vector.broadcast %jit3A_838 : i32 to vector<1x144xi32>
    %div3A_840 = arith.divsi %iota3A_837, %div3A_839 : vector<1x144xi32>
    %sign3A_841 = arith.constant 0 : i32
    %sign3A_842 = vector.broadcast %sign3A_841 : i32 to vector<1x144xi32>
    %sign3A_843 = arith.cmpi sgt, %iota3A_837, %sign3A_842 : vector<1x144xi32>
    %sign3A_844 = arith.extui %sign3A_843 : vector<1x144xi1> to vector<1x144xi32>
    %sign3A_845 = arith.constant 0 : i32
    %sign3A_846 = vector.broadcast %sign3A_845 : i32 to vector<1x144xi32>
    %sign3A_847 = arith.cmpi slt, %iota3A_837, %sign3A_846 : vector<1x144xi32>
    %sign3A_848 = arith.extui %sign3A_847 : vector<1x144xi1> to vector<1x144xi32>
    %sign3A_849 = arith.subi %sign3A_844, %sign3A_848 : vector<1x144xi32>
    %sign3A_850 = arith.constant 0 : i32
    %sign3A_851 = arith.cmpi sgt, %jit3A_838, %sign3A_850 : i32
    %sign3A_852 = arith.extui %sign3A_851 : i1 to i32
    %sign3A_853 = arith.constant 0 : i32
    %sign3A_854 = arith.cmpi slt, %jit3A_838, %sign3A_853 : i32
    %sign3A_855 = arith.extui %sign3A_854 : i1 to i32
    %sign3A_856 = arith.subi %sign3A_852, %sign3A_855 : i32
    %ne3A_857 = vector.broadcast %sign3A_856 : i32 to vector<1x144xi32>
    %ne3A_858 = arith.cmpi ne, %sign3A_849, %ne3A_857 : vector<1x144xi32>
    %rem3A_859 = vector.broadcast %jit3A_838 : i32 to vector<1x144xi32>
    %rem3A_860 = arith.remsi %iota3A_837, %rem3A_859 : vector<1x144xi32>
    %ne3A_861 = arith.constant 0 : i32
    %ne3A_862 = vector.broadcast %ne3A_861 : i32 to vector<1x144xi32>
    %ne3A_863 = arith.cmpi ne, %rem3A_860, %ne3A_862 : vector<1x144xi32>
    %and3A_864 = arith.andi %ne3A_858, %ne3A_863 : vector<1x144xi1>
    %sub3A_865 = arith.constant 1 : i32
    %sub3A_866 = vector.broadcast %sub3A_865 : i32 to vector<1x144xi32>
    %sub3A_867 = arith.subi %div3A_840, %sub3A_866 : vector<1x144xi32>
    %select_n3A_868 = arith.select %and3A_864, %sub3A_867, %div3A_840 : vector<1x144xi1>, vector<1x144xi32>
    %broadcast_in_dim3A_869 = arith.constant 0.000000e+00 : f32
    %broadcast_in_dim3A_870 = vector.broadcast %broadcast_in_dim3A_869 : f32 to vector<1x144xf32>
    %eq3A_871 = arith.constant 0 : i32
    %eq3A_872 = vector.broadcast %eq3A_871 : i32 to vector<1x144xi32>
    %eq3A_873 = arith.cmpi eq, %select_n3A_868, %eq3A_872 : vector<1x144xi32>
    %broadcast_in_dim3A_874 = vector.broadcast %add3A_700 : f32 to vector<1x144xf32>
    %select_n3A_875 = arith.select %eq3A_873, %broadcast_in_dim3A_874, %broadcast_in_dim3A_870 : vector<1x144xi1>, vector<1x144xf32>
    %eq3A_876 = arith.constant 1 : i32
    %eq3A_877 = vector.broadcast %eq3A_876 : i32 to vector<1x144xi32>
    %eq3A_878 = arith.cmpi eq, %select_n3A_868, %eq3A_877 : vector<1x144xi32>
    %broadcast_in_dim3A_879 = vector.broadcast %add3A_708 : f32 to vector<1x144xf32>
    %select_n3A_880 = arith.select %eq3A_878, %broadcast_in_dim3A_879, %select_n3A_875 : vector<1x144xi1>, vector<1x144xf32>
    %eq3A_881 = arith.constant 2 : i32
    %eq3A_882 = vector.broadcast %eq3A_881 : i32 to vector<1x144xi32>
    %eq3A_883 = arith.cmpi eq, %select_n3A_868, %eq3A_882 : vector<1x144xi32>
    %broadcast_in_dim3A_884 = vector.broadcast %add3A_716 : f32 to vector<1x144xf32>
    %select_n3A_885 = arith.select %eq3A_883, %broadcast_in_dim3A_884, %select_n3A_880 : vector<1x144xi1>, vector<1x144xf32>
    %eq3A_886 = arith.constant 3 : i32
    %eq3A_887 = vector.broadcast %eq3A_886 : i32 to vector<1x144xi32>
    %eq3A_888 = arith.cmpi eq, %select_n3A_868, %eq3A_887 : vector<1x144xi32>
    %broadcast_in_dim3A_889 = vector.broadcast %add3A_736 : f32 to vector<1x144xf32>
    %select_n3A_890 = arith.select %eq3A_888, %broadcast_in_dim3A_889, %select_n3A_885 : vector<1x144xi1>, vector<1x144xf32>
    %eq3A_891 = arith.constant 4 : i32
    %eq3A_892 = vector.broadcast %eq3A_891 : i32 to vector<1x144xi32>
    %eq3A_893 = arith.cmpi eq, %select_n3A_868, %eq3A_892 : vector<1x144xi32>
    %broadcast_in_dim3A_894 = vector.broadcast %add3A_744 : f32 to vector<1x144xf32>
    %select_n3A_895 = arith.select %eq3A_893, %broadcast_in_dim3A_894, %select_n3A_890 : vector<1x144xi1>, vector<1x144xf32>
    %eq3A_896 = arith.constant 5 : i32
    %eq3A_897 = vector.broadcast %eq3A_896 : i32 to vector<1x144xi32>
    %eq3A_898 = arith.cmpi eq, %select_n3A_868, %eq3A_897 : vector<1x144xi32>
    %broadcast_in_dim3A_899 = vector.broadcast %add3A_752 : f32 to vector<1x144xf32>
    %select_n3A_900 = arith.select %eq3A_898, %broadcast_in_dim3A_899, %select_n3A_895 : vector<1x144xi1>, vector<1x144xf32>
    %eq3A_901 = arith.constant 6 : i32
    %eq3A_902 = vector.broadcast %eq3A_901 : i32 to vector<1x144xi32>
    %eq3A_903 = arith.cmpi eq, %select_n3A_868, %eq3A_902 : vector<1x144xi32>
    %broadcast_in_dim3A_904 = vector.broadcast %add3A_772 : f32 to vector<1x144xf32>
    %select_n3A_905 = arith.select %eq3A_903, %broadcast_in_dim3A_904, %select_n3A_900 : vector<1x144xi1>, vector<1x144xf32>
    %eq3A_906 = arith.constant 7 : i32
    %eq3A_907 = vector.broadcast %eq3A_906 : i32 to vector<1x144xi32>
    %eq3A_908 = arith.cmpi eq, %select_n3A_868, %eq3A_907 : vector<1x144xi32>
    %broadcast_in_dim3A_909 = vector.broadcast %add3A_780 : f32 to vector<1x144xf32>
    %select_n3A_910 = arith.select %eq3A_908, %broadcast_in_dim3A_909, %select_n3A_905 : vector<1x144xi1>, vector<1x144xf32>
    %eq3A_911 = arith.constant 8 : i32
    %eq3A_912 = vector.broadcast %eq3A_911 : i32 to vector<1x144xi32>
    %eq3A_913 = arith.cmpi eq, %select_n3A_868, %eq3A_912 : vector<1x144xi32>
    %broadcast_in_dim3A_914 = vector.broadcast %add3A_788 : f32 to vector<1x144xf32>
    %select_n3A_915 = arith.select %eq3A_913, %broadcast_in_dim3A_914, %select_n3A_910 : vector<1x144xi1>, vector<1x144xf32>
    %swap3A_916 = arith.constant 0 : index
    %swap3A_917 = arith.constant 0 : index
    %swap3A_918 = vector.load %arg10[%swap3A_916, %swap3A_917] : memref<1x144xf32, #tpu.memory_space<vmem>>, vector<1x144xf32>
    tpu.vector_store %arg10[%swap3A_916, %swap3A_917], %select_n3A_915 {strides = array<i32>} : memref<1x144xf32, #tpu.memory_space<vmem>>, vector<1x144xf32>,
    %iota3A_919 = tpu.iota {dimensions = array<i32: 1>} : vector<1x10000xi32>
    %broadcast_in_dim3A_920 = arith.constant 0.000000e+00 : f32
    %broadcast_in_dim3A_921 = vector.broadcast %broadcast_in_dim3A_920 : f32 to vector<1x10000xf32>
    %eq3A_922 = vector.broadcast %select_n3A_291 : i32 to vector<1x10000xi32>
    %eq3A_923 = arith.cmpi eq, %iota3A_919, %eq3A_922 : vector<1x10000xi32>
    %jit3A_924 = arith.constant 1.000000e+00 : f32
    %jit3A_925 = arith.constant 0.000000e+00 : f32
    %broadcast_in_dim3A_926 = vector.broadcast %jit3A_924 : f32 to vector<1x10000xf32>
    %broadcast_in_dim3A_927 = vector.broadcast %jit3A_925 : f32 to vector<1x10000xf32>
    %select_n3A_928 = arith.select %eq3A_923, %broadcast_in_dim3A_926, %broadcast_in_dim3A_927 : vector<1x10000xi1>, vector<1x10000xf32>
    %add3A_929 = arith.addf %broadcast_in_dim3A_921, %select_n3A_928 : vector<1x10000xf32>
    %eq3A_930 = vector.broadcast %select_n3A_293 : i32 to vector<1x10000xi32>
    %eq3A_931 = arith.cmpi eq, %iota3A_919, %eq3A_930 : vector<1x10000xi32>
    %jit3A_932 = arith.constant 1.000000e+00 : f32
    %jit3A_933 = arith.constant 0.000000e+00 : f32
    %broadcast_in_dim3A_934 = vector.broadcast %jit3A_932 : f32 to vector<1x10000xf32>
    %broadcast_in_dim3A_935 = vector.broadcast %jit3A_933 : f32 to vector<1x10000xf32>
    %select_n3A_936 = arith.select %eq3A_931, %broadcast_in_dim3A_934, %broadcast_in_dim3A_935 : vector<1x10000xi1>, vector<1x10000xf32>
    %add3A_937 = arith.addf %add3A_929, %select_n3A_936 : vector<1x10000xf32>
    %eq3A_938 = vector.broadcast %select_n3A_295 : i32 to vector<1x10000xi32>
    %eq3A_939 = arith.cmpi eq, %iota3A_919, %eq3A_938 : vector<1x10000xi32>
    %jit3A_940 = arith.constant 1.000000e+00 : f32
    %jit3A_941 = arith.constant 0.000000e+00 : f32
    %broadcast_in_dim3A_942 = vector.broadcast %jit3A_940 : f32 to vector<1x10000xf32>
    %broadcast_in_dim3A_943 = vector.broadcast %jit3A_941 : f32 to vector<1x10000xf32>
    %select_n3A_944 = arith.select %eq3A_939, %broadcast_in_dim3A_942, %broadcast_in_dim3A_943 : vector<1x10000xi1>, vector<1x10000xf32>
    %add3A_945 = arith.addf %add3A_937, %select_n3A_944 : vector<1x10000xf32>
    %swap3A_946 = arith.constant 0 : index
    %swap3A_947 = arith.constant 0 : index
    %swap3A_948 = vector.load %arg6[%swap3A_946, %swap3A_947] : memref<1x10000xf32, #tpu.memory_space<vmem>>, vector<1x10000xf32>
    tpu.vector_store %arg6[%swap3A_946, %swap3A_947], %add3A_945 {strides = array<i32>} : memref<1x10000xf32, #tpu.memory_space<vmem>>, vector<1x10000xf32>,
    return
  }
}

</mosaic_0001>

<sc_bundles>
// kernel: kernel.5.cloned.1.call-start
scs
__scs_entry_jumppad:
0x0: {  	(pc) =	sbr.rel $0x88, $3  }
0x1: {  	(tag) =	ssettag $0x0;
	lr =	simm.s32 $0x1  }
0x2: {  	[smem:$0x3F97] =	sst lr;
	_ =	strace $0xD0000000  }
0x3: {  	_ = 	snop  }
0x4: {  	_ = 	snop  }
0x5: {  	_ = 	snop  }
0x6: {  	_ = 	snop  }
0x7: {  	_ = 	snop  }
__scs_overlays_trampoline_lowered:
0x8: {  	[smem:$0x3FA6] =	sst s0  }
0x9: {  	[smem:$0x3FA7] =	sst s1  }
0xa: {  	[smem:$0x3FA8] =	sst s2  }
0xb: {  	[smem:$0x3FA9] =	sst s3  }
0xc: {  	[smem:$0x3FAA] =	sst s4  }
0xd: {  	[smem:$0x3FAB] =	sst s5  }
0xe: {  	[smem:$0x3FAC] =	sst s6  }
0xf: {  	[smem:$0x3FAD] =	sst s7  }
0x10: {  	[smem:$0x3FAE] =	sst s8  }
0x11: {  	[smem:$0x3FAF] =	sst s9;
	s0 =	simm.s32 @!p0 $0x0  }
0x12: {  	s1 =	sld [smem:$0x3F95];
	s0 =	simm.s32 @p0 $0x1  }
0x13: {  	[smem:$0x3FB0] =	sst s0;
	s0 =	simm.s32 @!p1 $0x0  }
0x14: {  	s2 =	sld [smem:$0x3F94];
	s0 =	simm.s32 @p1 $0x1  }
0x15: {  	[smem:$0x3FB1] =	sst s0;
	s0 =	simm.s32 @!p2 $0x0  }
0x16: {  	s3 =	sld [smem:$0x3FDB];
	s0 =	simm.s32 @p2 $0x1  }
0x17: {  	s4 =	simm.s32 $0x1BF5;
	[smem:$0x3FB3] =	sst s0  }
0x18: {  	s0 =	sld [smem:$0x3F96];
	_ =	swait.ge [sflag:s4], $0x0  }
0x19: {  	s7 =	sld [smem:$0x3F97]  }
0x1a: {  	s8 =	sadd.s32 $0xFFFFE003, lr  }
0x1b: {  	s9 =	sadd.s32 $0xFFFFFEF7, lr;
	s5 =	simm.s32 $0xFFFFFFFF;
	p2 =	slt.u32 s8, $0xFFFFF086  }
0x1c: {  	p1 =	slt.u32 s9, $0xF7A;
	s5 =	simm.s32 @!p2 $0x0  }
0x1d: {  	s5 =	simm.s32 @p1 $0x1;
	p0 =	seq.s32 s7, s2  }
0x1e: {  	s7 =	smul.u32 @!p0 $0xF7A, s2;
	p2 =	seq.s32 @!p0 s5, $0x0  }
0x1f: {  	s9 =	smul.u32 $0xF7A, s1;
	s8 =	simm.s32 @!p0 $0x1BF5;
	p2 =	por !p2, p0  }
0x20: {  	[sflag:s8] =	ssyncset.s32 @!p0 $0xFFFFF086;
	s6 =	sadd.s32 @!p0 s3, s7;
	s7 =	simm.s32 @!p0 $0x108  }
0x21: {  	s3 =	sadd.s32 s3, s9;
	s6 =	sadd.s32 @!p0 $0x88, s6;
	s7 =	simm.s32 @p2 $0x1082  }
0x22: {  	[simem:s7], [sflag:s8] =	dma.local @!p0 [hbm:s6], $0xF7A  }
0x23: {  	s9 =	sor.u32 $0xD0000000, s2;
	s6 =	simm.s32 $0x108;
	_ =	swait.ge @!p0 [sflag:s8], $0x0  }
0x24: {  	s3 =	sadd.s32 $0x88, s3;
	s6 =	simm.s32 @!p1 $0x1082;
	[sflag:s4] =	ssyncset.s32 $0xFFFFF086  }
0x25: {  	[simem:s6], [sflag:s4] =	dma.local [hbm:s3], $0xF7A  }
0x26: {  	[smem:$0x3F97] =	sst s1;
	(tag) =	ssettag s2;
	_ =	strace s9  }
0x27: {  	s1 =	sld [smem:$0x3FA7]  }
0x28: {  	s2 =	sld [smem:$0x3FA8]  }
0x29: {  	s4 =	sld [smem:$0x3FAA]  }
0x2a: {  	p0 =	seq.s32 s5, $0x0;
	s5 =	sld [smem:$0x3FAB]  }
0x2b: {  	s6 =	sld [smem:$0x3FAC]  }
0x2c: {  	s7 =	sld [smem:$0x3FAD]  }
0x2d: {  	s3 =	simm.s32 $0x108;
	s8 =	sld [smem:$0x3FAE]  }
0x2e: {  	s3 =	simm.s32 @!p0 $0x1082;
	s9 =	sld [smem:$0x3FAF]  }
0x2f: {  	lr =	sadd.s32 s0, s3;
	s0 =	sld [smem:$0x3FA6]  }
0x30: {  	s3 =	sld [smem:$0x3FA9]  }
0x31: {  	[smem:$0x3FB2] =	sst s10  }
0x32: {  	s10 =	sld [smem:$0x3FB0];
	_ =	sdelay $0x3  }
0x33: {  	p0 =	seq.s32 s10, $0x1;
	s10 =	sld [smem:$0x3FB2];
	_ =	sdelay $0x3  }
0x34: {  	[smem:$0x3FB2] =	sst s10  }
0x35: {  	s10 =	sld [smem:$0x3FB1];
	_ =	sdelay $0x3  }
0x36: {  	p1 =	seq.s32 s10, $0x1;
	s10 =	sld [smem:$0x3FB2];
	_ =	sdelay $0x3  }
0x37: {  	[smem:$0x3FB2] =	sst s10  }
0x38: {  	s10 =	sld [smem:$0x3FB3]  }
0x39: {  	_ = 	snop;
	(pc) =	sbr.ind lr, $3  }
0x3a: {  	_ = 	snop  }
0x3b: {  	_ = 	snop  }
0x3c: {  	p2 =	seq.s32 s10, $0x1;
	s10 =	sld [smem:$0x3FB2]  }
0x3d: {  	_ =	shalt  }
0x3e: {  	_ =	shalt  }
0x3f: {  	_ =	shalt  }
0x40: {  	_ =	shalt  }
0x41: {  	_ =	shalt  }
0x42: {  	_ =	shalt  }
0x43: {  	_ =	shalt  }
0x44: {  	_ =	shalt  }
0x45: {  	_ =	shalt  }
0x46: {  	_ =	shalt  }
0x47: {  	_ =	shalt  }
0x48: {  	_ =	shalt  }
0x49: {  	_ =	shalt  }
0x4a: {  	_ =	shalt  }
0x4b: {  	_ =	shalt  }
0x4c: {  	_ =	shalt  }
0x4d: {  	_ =	shalt  }
0x4e: {  	_ =	shalt  }
0x4f: {  	_ =	shalt  }
0x50: {  	_ =	shalt  }
0x51: {  	_ =	shalt  }
0x52: {  	_ =	shalt  }
0x53: {  	_ =	shalt  }
0x54: {  	_ =	shalt  }
0x55: {  	_ =	shalt  }
0x56: {  	_ =	shalt  }
0x57: {  	_ =	shalt  }
0x58: {  	_ =	shalt  }
0x59: {  	_ =	shalt  }
0x5a: {  	_ =	shalt  }
0x5b: {  	_ =	shalt  }
0x5c: {  	_ =	shalt  }
0x5d: {  	_ =	shalt  }
0x5e: {  	_ =	shalt  }
0x5f: {  	_ =	shalt  }
0x60: {  	_ =	shalt  }
0x61: {  	_ =	shalt  }
0x62: {  	_ =	shalt  }
0x63: {  	_ =	shalt  }
0x64: {  	_ =	shalt  }
0x65: {  	_ =	shalt  }
0x66: {  	_ =	shalt  }
0x67: {  	_ =	shalt  }
0x68: {  	_ =	shalt  }
0x69: {  	_ =	shalt  }
0x6a: {  	_ =	shalt  }
0x6b: {  	_ =	shalt  }
0x6c: {  	_ =	shalt  }
0x6d: {  	_ =	shalt  }
0x6e: {  	_ =	shalt  }
0x6f: {  	_ =	shalt  }
0x70: {  	_ =	shalt  }
0x71: {  	_ =	shalt  }
0x72: {  	_ =	shalt  }
0x73: {  	_ =	shalt  }
0x74: {  	_ =	shalt  }
0x75: {  	_ =	shalt  }
0x76: {  	_ =	shalt  }
0x77: {  	_ =	shalt  }
0x78: {  	_ =	shalt  }
0x79: {  	_ =	shalt  }
0x7a: {  	_ =	shalt  }
0x7b: {  	_ =	shalt  }
0x7c: {  	_ =	shalt  }
0x7d: {  	_ =	shalt  }
0x7e: {  	_ =	shalt  }
0x7f: {  	_ =	shalt  }
0x80: {  	_ =	shalt  }
0x81: {  	_ =	shalt  }
0x82: {  	_ =	shalt  }
0x83: {  	_ =	shalt  }
0x84: {  	_ =	shalt  }
0x85: {  	_ =	shalt  }
0x86: {  	_ =	shalt  }
0x87: {  	_ =	shalt  }
.Lfunc_end0:
.L_simem_size_0:
called_computation_lowered:
.L_overlay_start_0:
0x88: {  	s2 =	sld [smem:$0x3FD9]  }
0x89: {  	s3 =	sld [smem:$0x3FFE];
	_ =	sdelay $0x1  }
0x8a: {  	s1 =	srdreg.scid  }
0x8b: {  	s0 =	sand.u32 $0x1, s1  }
0x8c: {  	s14 =	sshll.u32 s0, $0xA;
	s2 =	sadd.s32 s3, s2  }
0x8d: {  	s2 =	sadd.s32 s2, s14  }
0x8e: {  	[smem:$0x3FBE] =	sst s2  }
0x8f: {  	_ = 	snop  }
0x90: {  	s2 =	sld [smem:$0x3FD0];
	_ =	sdelay $0x2  }
0x91: {  	s4 =	simm.s32 $0xA;
	s5 =	simm.s32 $0x10;
	s15 =	sld [smem:$0x3FC7]  }
0x92: {  	[smem:s5], [sflag:s4] =	dma.local [hbm:s2], $0x1  }
0x93: {  	_ =	swait.eq [sflag:s4], $0x1  }
0x94: {  	s16 =	sld [smem:$0x11];
	[sflag:s4] =	ssyncset.done $0x0  }
0x95: {  	s17 =	sld [smem:$0x12];
	[sflag:s4] =	ssyncadd.s32 $0xFFFFFFFF  }
0x96: {  	s18 =	sld [smem:$0x13];
	(tm) =	ssettm $0x1  }
0x97: {  	s6 =	sld [smem:$0x3FFB];
	_ =	sdelay $0x3  }
0x98: {  	_ =	strace s6  }
0x99: {  	s6 =	sld [smem:$0x3FFC];
	_ =	sdelay $0x3  }
0x9a: {  	_ =	strace s6  }
0x9b: {  	s6 =	sld [smem:$0x3FFD];
	_ =	sdelay $0x3  }
0x9c: {  	_ =	strace s6  }
0x9d: {  	_ =	strace $0x8FFFFFFF  }
0x9e: {  	s19 =	sld [smem:$0x3FDB];
	_ =	sdelay $0x1  }
0x9f: {  	s7 =	simm.s32 $_scs_section_size  }
0xa0: {  	s8 =	simm.s32 $_size__tile_overlayer_lowered;
	s9 =	simm.s32 $_tile_overlayer_lowered  }
0xa1: {  	s22 =	simm.s32 $0x1BFF;
	s21 =	sshll.u32 s9, $0x1;
	s6 =	sadd.s32 s7, s19  }
0xa2: {  	s10 =	simm.s32 $0x0;
	s20 =	sshll.u32 s8, $0x1;
	s8 =	sadd.s32 s21, s6  }
0xa3: {  	[timem:s10], [sflag:s22] =	dma.local [hbm:s8], s20  }
0xa4: {  	_ =	swait.ge [sflag:s22], s20  }
0xa5: {  	s7 =	ssub.s32 $0x0, s20;
	[sflag:s22] =	ssyncset.done $0x0  }
0xa6: {  	[sflag:s22] =	ssyncadd.s32 s7;
	_ =	sdelay $0x1  }
0xa7: {  	s23 =	simm.s32 $0x1B8B  }
0xa8: {  	_ =	swait.ge [sflag:s23], $0x1  }
0xa9: {  	[sflag:s23] =	ssyncset.done $0x0  }
0xaa: {  	s25 =	simm.s32 $0x1B8E;
	s24 =	sld [smem:$0x3FFE];
	[sflag:s23] =	ssyncadd.s32 $0xFFFFFFFF  }
0xab: {  	s26 =	simm.s32 $execute0_lowered;
	[smem:$0x3FD2] =	sst s25  }
0xac: {  	s8 =	sshll.u32 s26, $0x1;
	_ =	strace $0x80000046;
	[dreg:$0x1] =	wrdreg $0xFFFFFFFF  }
0xad: {  	s28 =	simm.s32 $_size_execute0_lowered;
	s6 =	sadd.s32 s6, s8;
	[dreg:$0x0] =	wrdreg $0x0  }
0xae: {  	s8 =	sshll.u32 s28, $0x1;
	[dreg:$0x2] =	wrdreg s6  }
0xaf: {  	[dreg:$0x3] =	wrdreg s8  }
0xb0: {  	[dreg:$0x4] =	wrdreg $0xC0  }
0xb1: {  	_ =	task [dreg:s10], $0x5FFFF  }
0xb2: {  	[dreg:$0x1] =	wrdreg $0xFFFFFFFF  }
0xb3: {  	[dreg:$0x0] =	wrdreg $0x60  }
0xb4: {  	[dreg:$0x2] =	wrdreg s16  }
0xb5: {  	[dreg:$0x3] =	wrdreg s15  }
0xb6: {  	[dreg:$0x4] =	wrdreg s24  }
0xb7: {  	[dreg:$0x5] =	wrdreg s18  }
0xb8: {  	[dreg:$0x6] =	wrdreg s17  }
0xb9: {  	[dreg:$0x7] =	wrdreg $0x9  }
0xba: {  	_ =	task.clear_ibuf [dreg:s10], $0x8FFFF;
	_ =	strace $0x90000046  }
0xbb: {  	s29 =	simm.s32 $0x9;
	_ =	strace $0x80000048  }
0xbc: {  	_ =	swait.ge [sflag:s29], $0x1  }
0xbd: {  	[sflag:s29] =	ssyncadd.s32 $0xFFFFFFFF  }
0xbe: {  	_ =	strace $0x90000048  }
0xbf: {  	_ =	sfence  }
0xc0: {  	s30 =	sld [smem:$0x0];
	_ =	sdelay $0x2  }
0xc1: {  	s31 =	sshll.u32 s1, $0xD;
	s1 =	sshrl.u32 s1, $0x2  }
0xc2: {  	s3 =	sand.u32 $0x4000, s31;
	s1 =	sadd.s32 s1, s30  }
0xc3: {  	s0 =	sor.u32 s3, s0;
	s1 =	sshll.u32 s1, $0x11  }
0xc4: {  	s0 =	sor.u32 s1, s0  }
0xc5: {  	s0 =	sadd.s32 $0x8F2B, s0  }
0xc6: {  	[sflag:s0] =	ssyncadd.remote.s32 $0x1  }
0xc7: {  	_ =	sfence.sel $0xFFFF  }
0xc8: {  	[dreg:$0x0] =	wrdreg $0xFFFFFFFF;
	(pc) =	sbr.abs _section_cstart, $3  }
0xc9: {  	[dreg:$0x1] =	wrdreg $0xFFFFFFFF  }
0xca: {  	_ =	task.clear_ibuf [dreg:s10], $0x2FFFF;
	_ =	strace $0x9FFFFFFF  }
0xcb: {  	(tm) =	ssettm $0x7FFFFFFF  }
tec
execute0_lowered:
.L_overlay_start_1:
0x0: {  	(tag) =	ssettag $0x1  }
0x1: {  	s5 =	rddreg [dreg:$0x0]  }
0x2: {  	s7 =	rddreg [dreg:$0x1]  }
0x3: {  	s4 =	rddreg [dreg:$0x2];
	s1 =	srdreg.scid  }
0x4: {  	s0 =	stileid.u32;
	s2 =	rddreg [dreg:$0x3]  }
0x5: {  	s8 =	rddreg [dreg:$0x4];
	s3 =	simm.s32 $0x0;
	s11 =	simm.s32 $0x4F00  }
0x6: {  	s12 =	simm.s32 $0x9E00;
	s13 =	simm.s32 $0x2;
	s14 =	simm.s32 $0x9E80  }
0x7: {  	s15 =	simm.s32 $0x1;
	s6 =	sand.u32 $0x1, s1;
	s31 =	sshll.u32 s0, $0x1  }
0x8: {  	s16 =	simm.s32 $0x7680;
	s17 =	simm.s32 $0x0;
	s9 =	sor.u32 s6, s31  }
0x9: {  	s1 =	rddreg [dreg:$0x5];
	s6 =	ssub.s32 $0x2, s6;
	s9 =	smul.u32 $0x2710, s9  }
0xa: {  	[smem:$0x7FF] =	sst s3;
	s4 =	sadd.s32 $0x1800, s4;
	s10 =	sshrl.u32 s6, $0x1  }
0xb: {  	_ =	strace $0x80000047;
	s10 =	ssub.s32 s6, s10;
	s9 =	sshrl.u32 s9, $0x3  }
0xc: {  	s5 =	sadd.s32 s5, s9;
	s7 =	sadd.s32 s7, s9;
	s8 =	sadd.s32 s8, s9  }
0xd: {  	s9 =	smax.u32 s10, $0x1;
	s10 =	simm.s32 $0x2780;
	s6 =	sadd.s32 $0x9C40, s5  }
.LBB2_1:
0xe: {  	[tilespmem:s3], [sflag:$0x1] =	stream.linear.gather [hbm4b:s5+s3], $0x2710, $0x38;
	[tilespmem:$0x9F80] =	vst v63  }
0xf: {  	_ = 	snop  }
0x10: {  	[tilespmem:s10], [sflag:$0x1] =	stream.linear.gather [hbm4b:s6+s3], $0x2710, $0x38;
	[tilespmem:$0x9F80] =	vst v63  }
0x11: {  	_ = 	snop  }
0x12: {  	[tilespmem:s11], [sflag:$0x1] =	stream.linear.gather [hbm4b:s7+s3], $0x2710, $0x38;
	[tilespmem:$0x9F80] =	vst v63  }
0x13: {  	_ = 	snop  }
0x14: {  	[tilespmem:s12], [sflag:$0x2] =	stream.linear.gather [hbm4b:s4+s3], $0x80, $0x38;
	[tilespmem:$0x9F80] =	vst v63  }
0x15: {  	_ =	swait.ge [sflag:s13], $0x80  }
0x16: {  	[sflag:s13] =	ssyncset.done $0x0  }
0x17: {  	[sflag:s13] =	ssyncadd.s32 $0xFFFFFF80  }
0x18: {  	[tilespmem:s14], [sflag:$0x2] =	stream.linear.gather [hbm4b:s2+s3], $0x100, $0x38;
	[tilespmem:$0x9F80] =	vst v63  }
0x19: {  	_ =	swait.ge [sflag:s13], $0x100  }
0x1a: {  	[sflag:s13] =	ssyncset.done $0x0  }
0x1b: {  	[sflag:s13] =	ssyncadd.s32 $0xFFFFFF00  }
0x1c: {  	_ =	swait.ge [sflag:s15], $0x2710  }
0x1d: {  	[sflag:s15] =	ssyncset.done $0x0  }
0x1e: {  	[sflag:s15] =	ssyncadd.s32 $0xFFFFD8F0  }
0x1f: {  	_ =	swait.ge [sflag:s15], $0x2710  }
0x20: {  	[sflag:s15] =	ssyncset.done $0x0  }
0x21: {  	[sflag:s15] =	ssyncadd.s32 $0xFFFFD8F0  }
0x22: {  	_ =	swait.ge [sflag:s15], $0x2710  }
0x23: {  	[sflag:s15] =	ssyncset.done $0x0  }
0x24: {  	[sflag:s15] =	ssyncadd.s32 $0xFFFFD8F0  }
0x25: {  	v1 =	vld [tilespmem:$0x9E00]  }
0x26: {  	v2 =	vld [tilespmem:$0x9E10]  }
0x27: {  	v0 =	vld [tilespmem:$0x9E20]  }
0x28: {  	v9 =	vld [tilespmem:$0x9E80]  }
0x29: {  	v10 =	vld [tilespmem:$0x9E90]  }
0x2a: {  	s19 =	simm.s32 $0x0;
	v5 =	vld [tilespmem:$0x9EA0]  }
0x2b: {  	v12 =	vld [tilespmem:s19+$0x2780]  }
0x2c: {  	v7 =	vld [tilespmem:$0x9EB0]  }
0x2d: {  	v11 =	vld [tilespmem:$0x9EE0]  }
0x2e: {  	v8 =	vld [tilespmem:$0x9EC0]  }
0x2f: {  	v6 =	vld [tilespmem:$0x9EF0]  }
0x30: {  	v4 =	vld [tilespmem:$0x9ED0];
	vm0 =	veq.s32 v12, v1;
	vm1 =	veq.s32 v12, v2  }
0x31: {  	v3 =	vld [tilespmem:$0x9F00];
	vm2 =	veq.s32 v12, v0;
	v12 =	vnsel vm0, $0x0, v9;
	v13 =	vnsel vm1, $0x0, v10  }
0x32: {  	v14 =	vld [tilespmem:s19+$0x0];
	v15 =	vnsel vm0, $0x0, v11;
	v12 =	vadd.f32 v13, v12  }
0x33: {  	s18 =	simm.s32 $0x10;
	v16 =	vnsel vm0, $0x0, v7;
	v17 =	vnsel vm1, $0x0, v8;
	v13 =	vnsel vm2, $0x0, v5  }
0x34: {  	v18 =	vld [tilespmem:s18+$0x2780];
	v12 =	vadd.f32 v12, v13;
	v13 =	vadd.f32 v17, v16;
	v16 =	vnsel vm1, $0x0, v6  }
0x35: {  	v17 =	vnsel vm2, $0x0, v4;
	v15 =	vadd.f32 v16, v15  }
0x36: {  	v12 =	vadd.f32 $0.0e+00, v12;
	v13 =	vadd.f32 v13, v17  }
0x37: {  	vm0 =	veq.s32 v14, v1;
	vm1 =	veq.s32 v14, v2;
	v16 =	vnsel vm2, $0x0, v3  }
0x38: {  	v17 =	vld [tilespmem:s19+$0x4F00];
	v15 =	vadd.f32 v15, v16;
	v12 =	vnsel vm0, $0x0, v12;
	v13 =	vnsel vm1, $0x0, v13  }
0x39: {  	vm3 =	veq.s32 v18, v2;
	vm1 =	veq.s32 v14, v0;
	v12 =	vadd.f32 v12, v13  }
0x3a: {  	v20 =	vnsel vm3, $0x0, v8;
	vm2 =	veq.s32 v18, v1;
	v13 =	vnsel vm1, $0x0, v15  }
0x3b: {  	v14 =	vnsel vm2, $0x0, v9;
	v15 =	vnsel vm3, $0x0, v10;
	v13 =	vadd.f32 v12, v13  }
0x3c: {  	v19 =	vnsel vm2, $0x0, v7;
	vm0 =	veq.s32 v18, v0;
	v16 =	vadd.f32 v15, v14;
	v12 =	vld [tilespmem:s18+$0x0]  }
0x3d: {  	s20 =	simm.s32 $0x20;
	v18 =	vnsel vm0, $0x0, v5;
	v14 =	vnsel vm2, $0x0, v11;
	v15 =	vmul.f32 v13, v17  }
0x3e: {  	s21 =	simm.s32 $0xC0;
	v16 =	vadd.f32 v16, v18;
	v18 =	vnsel vm3, $0x0, v6;
	v13 =	vld [tilespmem:s20+$0x2780];
	v17 =	vadd.f32 v20, v19  }
.LBB2_2:
0x3f: {  	p0 =	sne.s32 s21, $0x9C00;
	v19 =	vnsel vm0, $0x0, v4;
	v14 =	vadd.f32 v18, v14;
	[tilespmem:s19+$0x7680] =	vst v15;
	s19 =	smov.u32 s18;
	s18 =	smov.u32 s20  }
0x40: {  	v15 =	vadd.f32 $0.0e+00, v16;
	v16 =	vadd.f32 v17, v19  }
0x41: {  	v17 =	vnsel vm0, $0x0, v3;
	vm1 =	veq.s32 v12, v1;
	vm2 =	veq.s32 v12, v2  }
0x42: {  	v14 =	vadd.f32 v14, v17;
	v18 =	vld [tilespmem:s19+$0x4F00];
	v15 =	vnsel vm1, $0x0, v15;
	v16 =	vnsel vm2, $0x0, v16  }
0x43: {  	vm1 =	veq.s32 v12, v0;
	vm0 =	veq.s32 v13, v0;
	v15 =	vadd.f32 v15, v16  }
.Ltmp0:
0x44: {  	vm2 =	veq.s32 v13, v1;
	vm3 =	veq.s32 v13, v2;
	v12 =	vnsel vm1, $0x0, v14;
	(pc) =	sbr.rel @p0 .LBB2_2-.Ltmp0, $4  }
0x45: {  	v13 =	vnsel vm2, $0x0, v9;
	v14 =	vnsel vm3, $0x0, v10;
	v15 =	vadd.f32 v15, v12  }
0x46: {  	v17 =	vnsel vm0, $0x0, v5;
	v16 =	vadd.f32 v14, v13;
	v14 =	vnsel vm2, $0x0, v11;
	v12 =	vld [tilespmem:s18+$0x0]  }
0x47: {  	s20 =	sshra.s32 s21, $0x2;
	v19 =	vnsel vm2, $0x0, v7;
	v20 =	vnsel vm3, $0x0, v8;
	v15 =	vmul.f32 v15, v18  }
0x48: {  	s21 =	sadd.s32 $0x40, s21;
	v16 =	vadd.f32 v16, v17;
	v17 =	vadd.f32 v20, v19;
	v18 =	vnsel vm3, $0x0, v6;
	v13 =	vld [tilespmem:s20+$0x2780]  }
0x49: {  	_ = 	snop  }
0x4a: {  	v19 =	vnsel vm0, $0x0, v4;
	v14 =	vadd.f32 v18, v14;
	v54 =	vnsel vm0, $0x0, v3  }
0x4b: {  	v16 =	vadd.f32 $0.0e+00, v16;
	v17 =	vadd.f32 v17, v19;
	vm1 =	veq.s32 v12, v1  }
0x4c: {  	vm2 =	veq.s32 v12, v2;
	v14 =	vadd.f32 v14, v54;
	vm11 =	veq.s32 v12, v0  }
0x4d: {  	[tilespmem:s19+$0x7680] =	vst v15;
	v16 =	vnsel vm1, $0x0, v16;
	v17 =	vnsel vm2, $0x0, v17;
	vm10 =	veq.s32 v13, v0  }
0x4e: {  	v56 =	vld [tilespmem:s18+$0x4F00];
	v55 =	vadd.f32 v16, v17;
	vm12 =	veq.s32 v13, v1;
	vm3 =	veq.s32 v13, v2  }
0x4f: {  	v12 =	vnsel vm11, $0x0, v14;
	v9 =	vnsel vm12, $0x0, v9;
	v10 =	vnsel vm3, $0x0, v10  }
0x50: {  	v57 =	vld [tilespmem:s20+$0x0];
	v5 =	vnsel vm10, $0x0, v5;
	v58 =	vnsel vm12, $0x0, v11;
	v9 =	vadd.f32 v10, v9  }
0x51: {  	v7 =	vnsel vm12, $0x0, v7;
	v8 =	vnsel vm3, $0x0, v8;
	v12 =	vadd.f32 v55, v12  }
0x52: {  	v6 =	vnsel vm3, $0x0, v6;
	v7 =	vadd.f32 v8, v7;
	v5 =	vadd.f32 v9, v5  }
0x53: {  	v60 =	vnsel vm10, $0x0, v4;
	v6 =	vadd.f32 v6, v58;
	v59 =	vmul.f32 v12, v56  }
0x54: {  	v4 =	vadd.f32 v7, v60;
	v5 =	vadd.f32 $0.0e+00, v5  }
0x55: {  	v61 =	vnsel vm10, $0x0, v3;
	vm13 =	veq.s32 v57, v1;
	vm14 =	veq.s32 v57, v2;
	[tilespmem:s18+$0x7680] =	vst v59  }
0x56: {  	v1 =	vadd.f32 v6, v61;
	v4 =	vnsel vm14, $0x0, v4;
	v62 =	vld [tilespmem:s20+$0x4F00];
	v63 =	vnsel vm13, $0x0, v5  }
0x57: {  	vm15 =	veq.s32 v57, v0;
	v3 =	vadd.f32 v63, v4  }
0x58: {  	v0 =	vnsel vm15, $0x0, v1  }
0x59: {  	v0 =	vadd.f32 v3, v0;
	_ =	sdelay $0x1  }
0x5a: {  	s17 =	sadd.s32 $0x1, s17;
	v0 =	vmul.f32 v0, v62  }
0x5b: {  	p0 =	sne.s32 s17, s9  }
.Ltmp1:
0x5c: {  	[tilespmem:s20+$0x7680] =	vst v0;
	(pc) =	sbr.rel @p0 .LBB2_1-.Ltmp1, $4  }
0x5d: {  	[hbm4b:s8+s3] =	stream.linear.scatter [tilespmem:s16], [sflag:$0x2], $0x2710, $0x38;
	[tilespmem:$0x9F80] =	vst v63  }
0x5e: {  	_ =	swait.ge [sflag:s13], $0x2710  }
0x5f: {  	[sflag:s13] =	ssyncset.done $0x0  }
0x60: {  	[sflag:s13] =	ssyncadd.s32 $0xFFFFD8F0  }
0x61: {  	_ =	sfence.sel $0x180000  }
0x62: {  	[bflag:$0x0] =	sbarrier.arrive $0xFFFF  }
0x63: {  	p0 =	sne.s32 s0, $0x0;
	_ =	strace $0x90000047  }
0x64: {  	s0 =	sadd.s32 @!p0 $0x100000, s1;
	[bflag:$0x2] =	sbarrier.arrive $0xFFFF  }
0x65: {  	[sflag:s0] =	ssyncadd.tile.s32 @!p0 $0x1;
	_ =	shalt  }
.Lfunc_end2:
_tile_overlayer_lowered:
.L_overlay_start_2:
0x66: {  	(tag) =	ssettag $0x2  }
0x67: {  	s0 =	rddreg [dreg:$0x0];
	s2 =	stileid.u32  }
0x68: {  	s1 =	rddreg [dreg:$0x1];
	p0 =	sne.s32 s2, $0x0  }
0x69: {  	s3 =	rddreg [dreg:$0x2];
	[bflag:$0x3] =	sbarrier.arrive $0xFFFF;
	s2 =	simm.s32 @!p0 $0x1C02  }
0x6a: {  	[timem:s3], [sflag:s2] =	dma.local @!p0 [hbm:s0], s1  }
0x6b: {  	s0 =	simm.s32 @!p0 $0x2  }
0x6c: {  	_ =	swait.ge @!p0 [sflag:s0], s1  }
0x6d: {  	s1 =	ssub.s32 @!p0 $0x0, s1;
	[sflag:s0] =	ssyncset.done @!p0 $0x0  }
0x6e: {  	[sflag:s0] =	ssyncadd.s32 @!p0 s1  }
0x6f: {  	[bflag:$0x3] =	sbarrier.arrive $0xFFFF  }
0x70: {  	_ =	shalt  }

</sc_bundles>
